<compile_context>
chip_gen: v7x
topology: tpu7x:2x2x1
jax: 0.10.2.dev20260603
libtpu: 0.0.44.dev20260713+nightly
codegen_flags: <defaults>
</compile_context>

<pallas_src>
import functools

import jax
import jax.numpy as jnp
from jax import lax
from jax.experimental import pallas as pl
from jax.experimental.pallas import tpu as pltpu
from jax.experimental.pallas import tpu_sc as plsc

N = 10000
E = 320000
D = 128
HID = 16
G4 = 4 * HID
PW = 80

NC = 2
NS = 16
NW = NC * NS
EPW = E // NW
CH = 80
NCHW = EPW // CH
WR = 80
NRCH = N // WR
RCH_PER_SUB = 8

BLK = 2000


_GATES = ("i", "f", "c", "o")


def _proj_body(x_ref, h_ref, *refs):
    pre_ref, dense_ref = refs[-2], refs[-1]
    prefs = refs[:-2]
    bx, cx, rx, bh, ch, rh, bias = (list(prefs[k::7]) for k in range(7))
    xv = x_ref[...]
    hv = h_ref[...]
    wx = jnp.concatenate([b[0] * c[0, 0] for b, c in zip(bx, cx)], axis=1)
    wh = jnp.concatenate([b[0] * c[0, 0] for b, c in zip(bh, ch)], axis=1)
    pre = jnp.dot(xv, wx, preferred_element_type=jnp.float32)
    pre += jnp.dot(hv, wh, preferred_element_type=jnp.float32)
    ones = jnp.ones((xv.shape[0], 1), jnp.float32)
    pad = jnp.zeros((xv.shape[0], PW - G4 - 1), jnp.float32)
    pre_ref[...] = jnp.concatenate([pre, ones, pad], axis=1)
    rxc = jnp.concatenate([r[...] for r in rx], axis=1)
    rhc = jnp.concatenate([r[...] for r in rh], axis=1)
    dense = jnp.dot(xv, rxc, preferred_element_type=jnp.float32)
    dense += jnp.dot(hv, rhc, preferred_element_type=jnp.float32)
    dense_ref[...] = dense + jnp.concatenate([b[...] for b in bias], axis=1)


def _proj(x, h, params):
    grid = (N // BLK,)
    full = lambda shape: pl.BlockSpec(shape, lambda i: tuple(0 for _ in shape))
    pargs, pspecs = [], []
    for g in _GATES:
        pargs += [
            params["basis_x_" + g],
            params["comp_x_" + g],
            params["root_x_" + g],
            params["basis_h_" + g],
            params["comp_h_" + g],
            params["root_h_" + g],
            (params["bias_x_" + g] + params["bias_h_" + g]).reshape(1, HID),
        ]
        pspecs += [full((1, D, HID)), full((1, 1)), full((D, HID)),
                   full((1, HID, HID)), full((1, 1)), full((HID, HID)),
                   full((1, HID))]
    return pl.pallas_call(
        _proj_body,
        grid=grid,
        in_specs=[
            pl.BlockSpec((BLK, D), lambda i: (i, 0)),
            pl.BlockSpec((BLK, HID), lambda i: (i, 0)),
        ] + pspecs,
        out_specs=[
            pl.BlockSpec((BLK, PW), lambda i: (i, 0)),
            pl.BlockSpec((BLK, G4), lambda i: (i, 0)),
        ],
        out_shape=[
            jax.ShapeDtypeStruct((N, PW), jnp.float32),
            jax.ShapeDtypeStruct((N, G4), jnp.float32),
        ],
    )(x, h, *pargs)


NBUF = 5


def _seg_body(pre_hbm, edges_hbm, out0, out1,
              src_v, dst1_v, dst_v, rows_v, stage_v, acc_sh, *sems):
    sg = sems[:NBUF]
    ss = sems[NBUF:]
    cid = lax.axis_index("c")
    sid = lax.axis_index("s")
    wid = cid * NS + sid

    pltpu.sync_copy(edges_hbm.at[0, pl.ds(wid * EPW, EPW)], src_v)
    pltpu.sync_copy(edges_hbm.at[1, pl.ds(wid * EPW, EPW)], dst1_v)

    def _dcopy(k, _):
        row = k // (CH // 16)
        col = (k % (CH // 16)) * 16
        dst_v[row, pl.ds(col, 16)] = dst1_v[pl.ds(k * 16, 16)]
        return _
    lax.fori_loop(0, EPW // 16, _dcopy, None)

    def _zrow(i, _):
        for j in range(PW // 16):
            stage_v[i, pl.ds(j * 16, 16)] = jnp.zeros((16,), jnp.float32)
        return _
    lax.fori_loop(0, WR, _zrow, None)
    nch = jnp.minimum(RCH_PER_SUB, NRCH - sid * RCH_PER_SUB)

    def _zchunk(k, _):
        r = (sid * RCH_PER_SUB + k) * WR
        pltpu.sync_copy(stage_v, acc_sh.at[pl.ds(r, WR)])
        return _
    lax.fori_loop(0, nch, _zchunk, None)
    plsc.subcore_barrier()

    def _gather(j, b, sem):
        pltpu.async_copy(pre_hbm.at[src_v.at[pl.ds(j * CH, CH)]], rows_v.at[b],
                         sem)

    def _gwait(j, b, sem):
        pltpu.make_async_copy(pre_hbm.at[src_v.at[pl.ds(j * CH, CH)]],
                              rows_v.at[b], sem).wait()

    def _scat(j, b, sem):
        pltpu.async_copy(rows_v.at[b], acc_sh.at[dst_v.at[j]], sem, add=True)

    def _swait(j, b, sem):
        pltpu.make_async_copy(rows_v.at[b], acc_sh.at[dst_v.at[j]], sem).wait()

    T = NCHW // NBUF
    for b in range(NBUF):
        _gather(b, b, sg[b])

    def _round(t, _):
        j = t * NBUF
        for b in range(NBUF):
            _gwait(j + b, b, sg[b])
            _scat(j + b, b, ss[b])
        for b in range(NBUF):
            _swait(j + b, b, ss[b])
            @pl.when(t < T - 1)
            def _():
                _gather(j + b + NBUF, b, sg[b])
        return _
    lax.fori_loop(0, T, _round, None)
    plsc.subcore_barrier()

    def _wchunk(k, _):
        r = (sid * RCH_PER_SUB + k) * WR
        @pl.when(cid == 0)
        def _():
            pltpu.sync_copy(acc_sh.at[pl.ds(r, WR)], out0.at[pl.ds(r, WR)])
        @pl.when(cid == 1)
        def _():
            pltpu.sync_copy(acc_sh.at[pl.ds(r, WR)], out1.at[pl.ds(r, WR)])
        return _
    lax.fori_loop(0, nch, _wchunk, None)


_seg_sum = functools.partial(
    pl.kernel,
    out_type=[jax.ShapeDtypeStruct((N, PW), jnp.float32)] * 2,
    mesh=plsc.VectorSubcoreMesh(core_axis_name="c", subcore_axis_name="s",
                                num_cores=NC, num_subcores=NS),
    compiler_params=pltpu.CompilerParams(use_tc_tiling_on_sc=False),
    scratch_types=[
        pltpu.VMEM((EPW,), jnp.int32),
        pltpu.VMEM((EPW,), jnp.int32),
        pltpu.VMEM((NCHW, CH), jnp.int32),
        pltpu.VMEM((NBUF, CH, PW), jnp.float32),
        pltpu.VMEM((WR, PW), jnp.float32),
        pltpu.VMEM_SHARED((N, PW), jnp.float32),
    ] + [pltpu.SemaphoreType.DMA] * (2 * NBUF),
)(_seg_body)


def _cell_body(p0_ref, p1_ref, dense_ref, c0_ref, lw_ref,
               lb_ref, h_ref, hn_ref, c_ref):
    agg = p0_ref[...] + p1_ref[...]
    cnt = jnp.maximum(agg[:, G4:G4 + 1], 1.0)
    z = agg[:, 0:G4] / cnt + dense_ref[...]
    sig = jax.nn.sigmoid(z)
    gi = sig[:, 0:HID]
    gf = sig[:, HID:2 * HID]
    gt = jnp.tanh(z[:, 2 * HID:3 * HID])
    go = sig[:, 3 * HID:4 * HID]
    c_new = gf * c0_ref[...] + gi * gt
    hn = go * jnp.tanh(c_new)
    h_out = jnp.dot(jax.nn.relu(hn), lw_ref[...],
                    preferred_element_type=jnp.float32) + lb_ref[...]
    h_ref[...] = h_out
    hn_ref[...] = hn
    c_ref[...] = c_new


def _cell(p0, p1, dense, c0, lw, lb):
    grid = (N // BLK,)
    return pl.pallas_call(
        _cell_body,
        grid=grid,
        in_specs=[
            pl.BlockSpec((BLK, PW), lambda i: (i, 0)),
            pl.BlockSpec((BLK, PW), lambda i: (i, 0)),
            pl.BlockSpec((BLK, G4), lambda i: (i, 0)),
            pl.BlockSpec((BLK, HID), lambda i: (i, 0)),
            pl.BlockSpec((HID, 1), lambda i: (0, 0)),
            pl.BlockSpec((1, 1), lambda i: (0, 0)),
        ],
        out_specs=[
            pl.BlockSpec((BLK, 1), lambda i: (i, 0)),
            pl.BlockSpec((BLK, HID), lambda i: (i, 0)),
            pl.BlockSpec((BLK, HID), lambda i: (i, 0)),
        ],
        out_shape=[
            jax.ShapeDtypeStruct((N, 1), jnp.float32),
            jax.ShapeDtypeStruct((N, HID), jnp.float32),
            jax.ShapeDtypeStruct((N, HID), jnp.float32),
        ],
    )(p0, p1, dense, c0, lw, lb)


@jax.jit
def _run(x, edge_index, h_0, c_0, params):
    pre, dense = _proj(x, h_0, params)

    p0, p1 = _seg_sum(pre, edge_index)

    h, hn, c_new = _cell(p0, p1, dense, c_0,
                         params["lin_w"], params["lin_b"][None, :])
    return h, hn, c_new


def kernel(x, edge_index, edge_weight, h_0, c_0, params):
    del edge_weight
    return _run(x, edge_index, h_0, c_0, params)

# --- scband reference (transcript-rebuilt; emitter-appended) ---
"""Pipeline reference for scband-recurrent-gcn-28896539967830 (READ-ONLY COPY).

The authoritative reference and input builder live on the scoring server;
editing this copy changes nothing except your own understanding.
"""

import jax, jax.numpy as jnp
import numpy as np

N = 10000
E = 320000
D = 128
HID = 16


def _make_params(key):
    it = iter(list(jax.random.split(key, 40)))
    p = {}
    for gate in ['i', 'f', 'c', 'o']:
        for src_name, din in [('x', D), ('h', HID)]:
            pre = src_name + '_' + gate
            p['comp_' + pre] = jax.random.normal(next(it), (1, 1), jnp.float32) * 0.1
            p['basis_' + pre] = jax.random.normal(next(it), (1, din, HID), jnp.float32) * 0.1
            p['root_' + pre] = jax.random.normal(next(it), (din, HID), jnp.float32) * 0.1
            p['bias_' + pre] = jnp.zeros((HID,), jnp.float32)
    p['lin_w'] = jax.random.normal(next(it), (HID, 1), jnp.float32) * 0.1
    p['lin_b'] = jnp.zeros((1,), jnp.float32)
    return p


def setup_inputs(seed: int = 0):
    key = jax.random.key(seed)
    k1, k2, k3, k4, k5 = jax.random.split(key, 5)
    x = jax.random.normal(k1, (N, D), jnp.float32)
    edge_index = jax.random.randint(k2, (2, E), 0, N, jnp.int32)
    edge_weight = jnp.zeros((E,), jnp.int32)  # edge_type; num_relations=1 so all zeros
    h_0 = jax.random.normal(k3, (N, HID), jnp.float32)
    c_0 = jax.random.normal(k4, (N, HID), jnp.float32)
    params = _make_params(k5)
    return {'x': x, 'edge_index': edge_index, 'edge_weight': edge_weight, 'h_0': h_0, 'c_0': c_0, 'params': params}


def _rgcn(x_in, src, dst, comp, basis, root, bias):
    # RGCNConv(num_relations=1, num_bases=1, aggr='mean'); edge_type is all zeros
    w = (comp @ basis.reshape(basis.shape[0], -1)).reshape(basis.shape[1], basis.shape[2])
    msg = jnp.take(x_in, src, axis=0)
    agg = jax.ops.segment_sum(msg, dst, num_segments=N)
    cnt = jax.ops.segment_sum(jnp.ones((src.shape[0],), x_in.dtype), dst, num_segments=N)
    mean = agg / jnp.clip(cnt, 1.0)[:, None]
    return mean @ w + x_in @ root + bias


def reference(x, edge_index, edge_weight, h_0, c_0, params):
    src = edge_index[0]
    dst = edge_index[1]

    def gate(name, act):
        a = _rgcn(x, src, dst, params['comp_x_' + name], params['basis_x_' + name], params['root_x_' + name], params['bias_x_' + name])
        b = _rgcn(h_0, src, dst, params['comp_h_' + name], params['basis_h_' + name], params['root_h_' + name], params['bias_h_' + name])
        return act(a + b)

    I = gate('i', jax.nn.sigmoid)
    Fg = gate('f', jax.nn.sigmoid)
    T = gate('c', jnp.tanh)
    C = Fg * c_0 + I * T
    O = gate('o', jax.nn.sigmoid)
    Hn = O * jnp.tanh(C)
    h = jax.nn.relu(Hn) @ params['lin_w'] + params['lin_b']
    return (h, Hn, C)

if __name__ == "__main__":
    import jax
    _d = setup_inputs()
    print(jax.jit(kernel)(*tuple(_d.values())))

</pallas_src>

<mosaic_0001>
#map = affine_map<(d0, d1) -> (0, 0)>
module attributes {stable_mosaic.version = 14 : i64} {
  func.func @_seg_body(%arg0: i32, %arg1: i32, %arg2: memref<10000x80xf32, #tpu.memory_space<hbm>>, %arg3: memref<2x320000xi32, #tpu.memory_space<hbm>>, %arg4: memref<10000x80xf32, #tpu.memory_space<hbm>>, %arg5: memref<10000x80xf32, #tpu.memory_space<hbm>>, %arg6: memref<10000xi32, #tpu.memory_space<vmem>>, %arg7: memref<10000xi32, #tpu.memory_space<vmem>>, %arg8: memref<125x80xi32, #tpu.memory_space<vmem>>, %arg9: memref<5x80x80xf32, #tpu.memory_space<vmem>>, %arg10: memref<80x80xf32, #tpu.memory_space<vmem>>, %arg11: memref<10000x80xf32, #tpu.memory_space<vmem_shared>>, %arg12: memref<!tpu.dma_semaphore, #tpu.memory_space<semaphore_mem>>, %arg13: memref<!tpu.dma_semaphore, #tpu.memory_space<semaphore_mem>>, %arg14: memref<!tpu.dma_semaphore, #tpu.memory_space<semaphore_mem>>, %arg15: memref<!tpu.dma_semaphore, #tpu.memory_space<semaphore_mem>>, %arg16: memref<!tpu.dma_semaphore, #tpu.memory_space<semaphore_mem>>, %arg17: memref<!tpu.dma_semaphore, #tpu.memory_space<semaphore_mem>>, %arg18: memref<!tpu.dma_semaphore, #tpu.memory_space<semaphore_mem>>, %arg19: memref<!tpu.dma_semaphore, #tpu.memory_space<semaphore_mem>>, %arg20: memref<!tpu.dma_semaphore, #tpu.memory_space<semaphore_mem>>, %arg21: memref<!tpu.dma_semaphore, #tpu.memory_space<semaphore_mem>>) attributes {dimension_semantics = [#tpu.dimension_semantics<core_parallel>, #tpu.dimension_semantics<subcore_parallel>], iteration_bounds = array<i64: 2, 16>, scalar_prefetch = 0 : i64, scratch_operands = 16 : i64, tpu.core_type = #tpu.core_type<sc_vector_subcore>, window_params = [{transform_indices = #map}, {transform_indices = #map}, {transform_indices = #map}, {transform_indices = #map}]} {
    %mul3A = arith.constant 16 : i32
    %mul3A_0 = arith.muli %arg0, %mul3A : i32
    %add3A = arith.addi %mul3A_0, %arg1 : i32
    %mul3A_1 = arith.constant 10000 : i32
    %mul3A_2 = arith.muli %add3A, %mul3A_1 : i32
    %run_scoped3A = arith.constant 0 : i32
    "tpu.region"() ({
      %run_scoped3A_91 = tpu.sem_alloc : memref<!tpu.dma_semaphore, #tpu.memory_space<semaphore_mem>>
      %dma_start3A_92 = tpu.memref_slice %arg3[%run_scoped3A, %mul3A_2] : memref<2x320000xi32, #tpu.memory_space<hbm>> -> memref<1x10000xi32, #tpu.memory_space<hbm>>
      %dma_start3A_93 = tpu.memref_squeeze %dma_start3A_92 : memref<1x10000xi32, #tpu.memory_space<hbm>> -> memref<10000xi32, #tpu.memory_space<hbm>>
      %dma_start3A_94 = tpu.memref_slice %arg3[%run_scoped3A, %mul3A_2] : memref<2x320000xi32, #tpu.memory_space<hbm>> -> memref<1x10000xi32, #tpu.memory_space<hbm>>
      %dma_start3A_95 = tpu.memref_squeeze %dma_start3A_94 : memref<1x10000xi32, #tpu.memory_space<hbm>> -> memref<10000xi32, #tpu.memory_space<hbm>>
      tpu.enqueue_dma source(%dma_start3A_95 : memref<10000xi32, #tpu.memory_space<hbm>>) target(%arg6 : memref<10000xi32, #tpu.memory_space<vmem>>) target_semaphore(%run_scoped3A_91 : memref<!tpu.dma_semaphore, #tpu.memory_space<semaphore_mem>>)
      %dma_wait3A = tpu.memref_slice %arg3[%run_scoped3A, %mul3A_2] : memref<2x320000xi32, #tpu.memory_space<hbm>> -> memref<1x10000xi32, #tpu.memory_space<hbm>>
      %dma_wait3A_96 = tpu.memref_squeeze %dma_wait3A : memref<1x10000xi32, #tpu.memory_space<hbm>> -> memref<10000xi32, #tpu.memory_space<hbm>>
      %dma_wait3A_97 = tpu.memref_slice %arg3[%run_scoped3A, %mul3A_2] : memref<2x320000xi32, #tpu.memory_space<hbm>> -> memref<1x10000xi32, #tpu.memory_space<hbm>>
      %dma_wait3A_98 = tpu.memref_squeeze %dma_wait3A_97 : memref<1x10000xi32, #tpu.memory_space<hbm>> -> memref<10000xi32, #tpu.memory_space<hbm>>
      tpu.wait_dma2 semaphore(%run_scoped3A_91 : memref<!tpu.dma_semaphore, #tpu.memory_space<semaphore_mem>>) src(%dma_wait3A_98 : memref<10000xi32, #tpu.memory_space<hbm>>) dst(%arg6 : memref<10000xi32, #tpu.memory_space<vmem>>)
      tpu.yield
    }) : () -> ()
    %mul3A_3 = arith.constant 10000 : i32
    %mul3A_4 = arith.muli %add3A, %mul3A_3 : i32
    %run_scoped3A_5 = arith.constant 1 : i32
    "tpu.region"() ({
      %run_scoped3A_91 = tpu.sem_alloc : memref<!tpu.dma_semaphore, #tpu.memory_space<semaphore_mem>>
      %dma_start3A_92 = tpu.memref_slice %arg3[%run_scoped3A_5, %mul3A_4] : memref<2x320000xi32, #tpu.memory_space<hbm>> -> memref<1x10000xi32, #tpu.memory_space<hbm>>
      %dma_start3A_93 = tpu.memref_squeeze %dma_start3A_92 : memref<1x10000xi32, #tpu.memory_space<hbm>> -> memref<10000xi32, #tpu.memory_space<hbm>>
      %dma_start3A_94 = tpu.memref_slice %arg3[%run_scoped3A_5, %mul3A_4] : memref<2x320000xi32, #tpu.memory_space<hbm>> -> memref<1x10000xi32, #tpu.memory_space<hbm>>
      %dma_start3A_95 = tpu.memref_squeeze %dma_start3A_94 : memref<1x10000xi32, #tpu.memory_space<hbm>> -> memref<10000xi32, #tpu.memory_space<hbm>>
      tpu.enqueue_dma source(%dma_start3A_95 : memref<10000xi32, #tpu.memory_space<hbm>>) target(%arg7 : memref<10000xi32, #tpu.memory_space<vmem>>) target_semaphore(%run_scoped3A_91 : memref<!tpu.dma_semaphore, #tpu.memory_space<semaphore_mem>>)
      %dma_wait3A = tpu.memref_slice %arg3[%run_scoped3A_5, %mul3A_4] : memref<2x320000xi32, #tpu.memory_space<hbm>> -> memref<1x10000xi32, #tpu.memory_space<hbm>>
      %dma_wait3A_96 = tpu.memref_squeeze %dma_wait3A : memref<1x10000xi32, #tpu.memory_space<hbm>> -> memref<10000xi32, #tpu.memory_space<hbm>>
      %dma_wait3A_97 = tpu.memref_slice %arg3[%run_scoped3A_5, %mul3A_4] : memref<2x320000xi32, #tpu.memory_space<hbm>> -> memref<1x10000xi32, #tpu.memory_space<hbm>>
      %dma_wait3A_98 = tpu.memref_squeeze %dma_wait3A_97 : memref<1x10000xi32, #tpu.memory_space<hbm>> -> memref<10000xi32, #tpu.memory_space<hbm>>
      tpu.wait_dma2 semaphore(%run_scoped3A_91 : memref<!tpu.dma_semaphore, #tpu.memory_space<semaphore_mem>>) src(%dma_wait3A_98 : memref<10000xi32, #tpu.memory_space<hbm>>) dst(%arg7 : memref<10000xi32, #tpu.memory_space<vmem>>)
      tpu.yield
    }) : () -> ()
    %scan3A = arith.constant 0 : i32
    %scan3A_6 = arith.constant 625 : i32
    %scan3A_7 = arith.addi %scan3A, %scan3A_6 : i32
    %scan3A_8 = arith.constant 1 : i32
    scf.for %scan3A_91 = %scan3A to %scan3A_7 step %scan3A_8  : i32 {
      %jit3A = arith.constant 5 : i32
      %div3A = arith.divsi %scan3A_91, %jit3A : i32
      %sign3A = arith.constant 0 : i32
      %sign3A_92 = arith.cmpi sgt, %scan3A_91, %sign3A : i32
      %sign3A_93 = arith.extui %sign3A_92 : i1 to i32
      %sign3A_94 = arith.constant 0 : i32
      %sign3A_95 = arith.cmpi slt, %scan3A_91, %sign3A_94 : i32
      %sign3A_96 = arith.extui %sign3A_95 : i1 to i32
      %sign3A_97 = arith.subi %sign3A_93, %sign3A_96 : i32
      %sign3A_98 = arith.constant 0 : i32
      %sign3A_99 = arith.cmpi sgt, %jit3A, %sign3A_98 : i32
      %sign3A_100 = arith.extui %sign3A_99 : i1 to i32
      %sign3A_101 = arith.constant 0 : i32
      %sign3A_102 = arith.cmpi slt, %jit3A, %sign3A_101 : i32
      %sign3A_103 = arith.extui %sign3A_102 : i1 to i32
      %sign3A_104 = arith.subi %sign3A_100, %sign3A_103 : i32
      %ne3A = arith.cmpi ne, %sign3A_97, %sign3A_104 : i32
      %rem3A = arith.remsi %scan3A_91, %jit3A : i32
      %ne3A_105 = arith.constant 0 : i32
      %ne3A_106 = arith.cmpi ne, %rem3A, %ne3A_105 : i32
      %and3A = arith.andi %ne3A, %ne3A_106 : i1
      %sub3A_107 = arith.constant 1 : i32
      %sub3A_108 = arith.subi %div3A, %sub3A_107 : i32
      %select_n3A = arith.select %and3A, %sub3A_108, %div3A : i32
      %jit3A_109 = arith.constant 5 : i32
      %eq3A = arith.constant 0 : i32
      %eq3A_110 = arith.cmpi eq, %jit3A_109, %eq3A : i32
      %jit3A_111 = arith.constant 1 : i32
      %select_n3A_112 = arith.select %eq3A_110, %jit3A_111, %jit3A_109 : i32
      %rem3A_113 = arith.remsi %scan3A_91, %select_n3A_112 : i32
      %ne3A_114 = arith.constant 0 : i32
      %ne3A_115 = arith.cmpi ne, %rem3A_113, %ne3A_114 : i32
      %lt3A = arith.constant 0 : i32
      %lt3A_116 = arith.cmpi slt, %rem3A_113, %lt3A : i32
      %lt3A_117 = arith.constant 0 : i32
      %lt3A_118 = arith.cmpi slt, %select_n3A_112, %lt3A_117 : i32
      %ne3A_119 = arith.xori %lt3A_116, %lt3A_118 : i1
      %and3A_120 = arith.andi %ne3A_119, %ne3A_115 : i1
      %add3A_121 = arith.addi %rem3A_113, %select_n3A_112 : i32
      %select_n3A_122 = arith.select %and3A_120, %add3A_121, %rem3A_113 : i32
      %mul3A_123 = arith.constant 16 : i32
      %mul3A_124 = arith.muli %select_n3A_122, %mul3A_123 : i32
      %mul3A_125 = arith.constant 16 : i32
      %mul3A_126 = arith.muli %scan3A_91, %mul3A_125 : i32
      %get3A = arith.index_cast %mul3A_126 : i32 to index
      %get3A_127 = tpu.vector_load %arg7[%get3A] {strides = array<i32>} : memref<10000xi32, #tpu.memory_space<vmem>>, vector<16xi32>,
      %get3A_128 = vector.shape_cast %get3A_127 : vector<16xi32> to vector<16xi32>
      %swap3A = arith.index_cast %select_n3A : i32 to index
      %swap3A_129 = arith.index_cast %mul3A_124 : i32 to index
      %swap3A_130 = tpu.vector_load %arg8[%swap3A, %swap3A_129] {strides = array<i32>} : memref<125x80xi32, #tpu.memory_space<vmem>>, vector<1x16xi32>,
      %swap3A_131 = vector.shape_cast %swap3A_130 : vector<1x16xi32> to vector<16xi32>
      %swap3A_132 = vector.shape_cast %get3A_128 : vector<16xi32> to vector<1x16xi32>
      tpu.vector_store %arg8[%swap3A, %swap3A_129], %swap3A_132 {strides = array<i32>} : memref<125x80xi32, #tpu.memory_space<vmem>>, vector<1x16xi32>,
    }
    %scan3A_9 = arith.constant 625 : i32
    %scan3A_10 = arith.constant 0 : i32
    %scan3A_11 = arith.constant 80 : i32
    %scan3A_12 = arith.addi %scan3A_10, %scan3A_11 : i32
    %scan3A_13 = arith.constant 1 : i32
    scf.for %scan3A_91 = %scan3A_10 to %scan3A_12 step %scan3A_13  : i32 {
      %broadcast_in_dim3A = arith.constant 0.000000e+00 : f32
      %broadcast_in_dim3A_92 = vector.broadcast %broadcast_in_dim3A : f32 to vector<16xf32>
      %swap3A = arith.index_cast %scan3A_91 : i32 to index
      %swap3A_93 = arith.constant 0 : index
      %swap3A_94 = tpu.vector_load %arg10[%swap3A, %swap3A_93] {strides = array<i32>} : memref<80x80xf32, #tpu.memory_space<vmem>>, vector<1x16xf32>,
      %swap3A_95 = vector.shape_cast %swap3A_94 : vector<1x16xf32> to vector<16xf32>
      %swap3A_96 = vector.shape_cast %broadcast_in_dim3A_92 : vector<16xf32> to vector<1x16xf32>
      tpu.vector_store %arg10[%swap3A, %swap3A_93], %swap3A_96 {strides = array<i32>} : memref<80x80xf32, #tpu.memory_space<vmem>>, vector<1x16xf32>,
      %broadcast_in_dim3A_97 = arith.constant 0.000000e+00 : f32
      %broadcast_in_dim3A_98 = vector.broadcast %broadcast_in_dim3A_97 : f32 to vector<16xf32>
      %swap3A_99 = arith.index_cast %scan3A_91 : i32 to index
      %swap3A_100 = arith.constant 16 : index
      %swap3A_101 = tpu.vector_load %arg10[%swap3A_99, %swap3A_100] {strides = array<i32>} : memref<80x80xf32, #tpu.memory_space<vmem>>, vector<1x16xf32>,
      %swap3A_102 = vector.shape_cast %swap3A_101 : vector<1x16xf32> to vector<16xf32>
      %swap3A_103 = vector.shape_cast %broadcast_in_dim3A_98 : vector<16xf32> to vector<1x16xf32>
      tpu.vector_store %arg10[%swap3A_99, %swap3A_100], %swap3A_103 {strides = array<i32>} : memref<80x80xf32, #tpu.memory_space<vmem>>, vector<1x16xf32>,
      %broadcast_in_dim3A_104 = arith.constant 0.000000e+00 : f32
      %broadcast_in_dim3A_105 = vector.broadcast %broadcast_in_dim3A_104 : f32 to vector<16xf32>
      %swap3A_106 = arith.index_cast %scan3A_91 : i32 to index
      %swap3A_107 = arith.constant 32 : index
      %swap3A_108 = tpu.vector_load %arg10[%swap3A_106, %swap3A_107] {strides = array<i32>} : memref<80x80xf32, #tpu.memory_space<vmem>>, vector<1x16xf32>,
      %swap3A_109 = vector.shape_cast %swap3A_108 : vector<1x16xf32> to vector<16xf32>
      %swap3A_110 = vector.shape_cast %broadcast_in_dim3A_105 : vector<16xf32> to vector<1x16xf32>
      tpu.vector_store %arg10[%swap3A_106, %swap3A_107], %swap3A_110 {strides = array<i32>} : memref<80x80xf32, #tpu.memory_space<vmem>>, vector<1x16xf32>,
      %broadcast_in_dim3A_111 = arith.constant 0.000000e+00 : f32
      %broadcast_in_dim3A_112 = vector.broadcast %broadcast_in_dim3A_111 : f32 to vector<16xf32>
      %swap3A_113 = arith.index_cast %scan3A_91 : i32 to index
      %swap3A_114 = arith.constant 48 : index
      %swap3A_115 = tpu.vector_load %arg10[%swap3A_113, %swap3A_114] {strides = array<i32>} : memref<80x80xf32, #tpu.memory_space<vmem>>, vector<1x16xf32>,
      %swap3A_116 = vector.shape_cast %swap3A_115 : vector<1x16xf32> to vector<16xf32>
      %swap3A_117 = vector.shape_cast %broadcast_in_dim3A_112 : vector<16xf32> to vector<1x16xf32>
      tpu.vector_store %arg10[%swap3A_113, %swap3A_114], %swap3A_117 {strides = array<i32>} : memref<80x80xf32, #tpu.memory_space<vmem>>, vector<1x16xf32>,
      %broadcast_in_dim3A_118 = arith.constant 0.000000e+00 : f32
      %broadcast_in_dim3A_119 = vector.broadcast %broadcast_in_dim3A_118 : f32 to vector<16xf32>
      %swap3A_120 = arith.index_cast %scan3A_91 : i32 to index
      %swap3A_121 = arith.constant 64 : index
      %swap3A_122 = tpu.vector_load %arg10[%swap3A_120, %swap3A_121] {strides = array<i32>} : memref<80x80xf32, #tpu.memory_space<vmem>>, vector<1x16xf32>,
      %swap3A_123 = vector.shape_cast %swap3A_122 : vector<1x16xf32> to vector<16xf32>
      %swap3A_124 = vector.shape_cast %broadcast_in_dim3A_119 : vector<16xf32> to vector<1x16xf32>
      tpu.vector_store %arg10[%swap3A_120, %swap3A_121], %swap3A_124 {strides = array<i32>} : memref<80x80xf32, #tpu.memory_space<vmem>>, vector<1x16xf32>,
    }
    %scan3A_14 = arith.constant 80 : i32
    %mul3A_15 = arith.constant 8 : i32
    %mul3A_16 = arith.muli %arg1, %mul3A_15 : i32
    %sub3A = arith.constant 125 : i32
    %sub3A_17 = arith.subi %sub3A, %mul3A_16 : i32
    %min3A = arith.constant 8 : i32
    %min3A_18 = arith.minsi %min3A, %sub3A_17 : i32
    %while3A = arith.constant 0 : i32
    %while3A_19 = arith.subi %min3A_18, %while3A : i32
    %while3A_20 = arith.addi %while3A, %while3A_19 : i32
    %while3A_21 = arith.constant 1 : i32
    %while3A_22 = arith.divsi %while3A_19, %while3A_21 : i32
    %while3A_23 = arith.muli %while3A_22, %while3A_21 : i32
    %while3A_24 = arith.addi %while3A, %while3A_23 : i32
    %while3A_25 = arith.constant 1 : i32
    scf.for %while3A_91 = %while3A to %while3A_24 step %while3A_25  : i32 {
      %mul3A_92 = arith.constant 8 : i32
      %mul3A_93 = arith.muli %arg1, %mul3A_92 : i32
      %add3A_94 = arith.addi %mul3A_93, %while3A_91 : i32
      %mul3A_95 = arith.constant 80 : i32
      %mul3A_96 = arith.muli %add3A_94, %mul3A_95 : i32
      "tpu.region"() ({
        %run_scoped3A_97 = tpu.sem_alloc : memref<!tpu.dma_semaphore, #tpu.memory_space<semaphore_mem>>
        %dma_start3A_98 = arith.constant 0 : i32
        %dma_start3A_99 = tpu.memref_slice %arg11[%mul3A_96, %dma_start3A_98] : memref<10000x80xf32, #tpu.memory_space<vmem_shared>> -> memref<80x80xf32, #tpu.memory_space<vmem_shared>>
        %dma_start3A_100 = arith.constant 0 : i32
        %dma_start3A_101 = tpu.memref_slice %arg11[%mul3A_96, %dma_start3A_100] : memref<10000x80xf32, #tpu.memory_space<vmem_shared>> -> memref<80x80xf32, #tpu.memory_space<vmem_shared>>
        tpu.enqueue_dma source(%arg10 : memref<80x80xf32, #tpu.memory_space<vmem>>) target(%dma_start3A_101 : memref<80x80xf32, #tpu.memory_space<vmem_shared>>) target_semaphore(%run_scoped3A_97 : memref<!tpu.dma_semaphore, #tpu.memory_space<semaphore_mem>>)
        %dma_wait3A = arith.constant 0 : i32
        %dma_wait3A_102 = tpu.memref_slice %arg11[%mul3A_96, %dma_wait3A] : memref<10000x80xf32, #tpu.memory_space<vmem_shared>> -> memref<80x80xf32, #tpu.memory_space<vmem_shared>>
        %dma_wait3A_103 = arith.constant 0 : i32
        %dma_wait3A_104 = tpu.memref_slice %arg11[%mul3A_96, %dma_wait3A_103] : memref<10000x80xf32, #tpu.memory_space<vmem_shared>> -> memref<80x80xf32, #tpu.memory_space<vmem_shared>>
        tpu.wait_dma2 semaphore(%run_scoped3A_97 : memref<!tpu.dma_semaphore, #tpu.memory_space<semaphore_mem>>) src(%arg10 : memref<80x80xf32, #tpu.memory_space<vmem>>) dst(%dma_wait3A_104 : memref<80x80xf32, #tpu.memory_space<vmem_shared>>)
        tpu.yield
      }) : () -> ()
    }
    %while3A_26 = arith.constant 1 : i32
    scf.for %while3A_91 = %while3A_24 to %while3A_20 step %while3A_26  : i32 {
      %mul3A_92 = arith.constant 8 : i32
      %mul3A_93 = arith.muli %arg1, %mul3A_92 : i32
      %add3A_94 = arith.addi %mul3A_93, %while3A_91 : i32
      %mul3A_95 = arith.constant 80 : i32
      %mul3A_96 = arith.muli %add3A_94, %mul3A_95 : i32
      "tpu.region"() ({
        %run_scoped3A_97 = tpu.sem_alloc : memref<!tpu.dma_semaphore, #tpu.memory_space<semaphore_mem>>
        %dma_start3A_98 = arith.constant 0 : i32
        %dma_start3A_99 = tpu.memref_slice %arg11[%mul3A_96, %dma_start3A_98] : memref<10000x80xf32, #tpu.memory_space<vmem_shared>> -> memref<80x80xf32, #tpu.memory_space<vmem_shared>>
        %dma_start3A_100 = arith.constant 0 : i32
        %dma_start3A_101 = tpu.memref_slice %arg11[%mul3A_96, %dma_start3A_100] : memref<10000x80xf32, #tpu.memory_space<vmem_shared>> -> memref<80x80xf32, #tpu.memory_space<vmem_shared>>
        tpu.enqueue_dma source(%arg10 : memref<80x80xf32, #tpu.memory_space<vmem>>) target(%dma_start3A_101 : memref<80x80xf32, #tpu.memory_space<vmem_shared>>) target_semaphore(%run_scoped3A_97 : memref<!tpu.dma_semaphore, #tpu.memory_space<semaphore_mem>>)
        %dma_wait3A = arith.constant 0 : i32
        %dma_wait3A_102 = tpu.memref_slice %arg11[%mul3A_96, %dma_wait3A] : memref<10000x80xf32, #tpu.memory_space<vmem_shared>> -> memref<80x80xf32, #tpu.memory_space<vmem_shared>>
        %dma_wait3A_103 = arith.constant 0 : i32
        %dma_wait3A_104 = tpu.memref_slice %arg11[%mul3A_96, %dma_wait3A_103] : memref<10000x80xf32, #tpu.memory_space<vmem_shared>> -> memref<80x80xf32, #tpu.memory_space<vmem_shared>>
        tpu.wait_dma2 semaphore(%run_scoped3A_97 : memref<!tpu.dma_semaphore, #tpu.memory_space<semaphore_mem>>) src(%arg10 : memref<80x80xf32, #tpu.memory_space<vmem>>) dst(%dma_wait3A_104 : memref<80x80xf32, #tpu.memory_space<vmem_shared>>)
        tpu.yield
      }) : () -> ()
    }
    %barrier3A = arith.constant 0 : index
    tpu.barrier barrier_id(%barrier3A)
    %dma_start3A = arith.constant 0 : i32
    %dma_start3A_27 = arith.constant 0 : i32
    %dma_start3A_28 = arith.constant 0 : i32
    %dma_start3A_29 = tpu.memref_slice %arg9[%dma_start3A, %dma_start3A_27, %dma_start3A_28] : memref<5x80x80xf32, #tpu.memory_space<vmem>> -> memref<1x80x80xf32, #tpu.memory_space<vmem>>
    %dma_start3A_30 = tpu.memref_squeeze %dma_start3A_29 : memref<1x80x80xf32, #tpu.memory_space<vmem>> -> memref<80x80xf32, #tpu.memory_space<vmem>>
    %dma_start3A_31 = arith.constant 0 : i32
    %dma_start3A_32 = tpu.memref_slice %arg6[%dma_start3A_31] : memref<10000xi32, #tpu.memory_space<vmem>> -> memref<80xi32, #tpu.memory_space<vmem>>
    %dma_start3A_33 = arith.constant 0 : i32
    %dma_start3A_34 = arith.constant 0 : i32
    %dma_start3A_35 = tpu.memref_slice %arg2[%dma_start3A_33, %dma_start3A_34] : memref<10000x80xf32, #tpu.memory_space<hbm>> -> memref<10000x80xf32, #tpu.memory_space<hbm>>
    tpu.enqueue_indirect_dma source(%dma_start3A_35 : memref<10000x80xf32, #tpu.memory_space<hbm>>) target(%dma_start3A_30 : memref<80x80xf32, #tpu.memory_space<vmem>>) offsets(%dma_start3A_32 : memref<80xi32, #tpu.memory_space<vmem>>) semaphore(%arg12 : memref<!tpu.dma_semaphore, #tpu.memory_space<semaphore_mem>>)
    %dma_start3A_36 = arith.constant 1 : i32
    %dma_start3A_37 = arith.constant 0 : i32
    %dma_start3A_38 = arith.constant 0 : i32
    %dma_start3A_39 = tpu.memref_slice %arg9[%dma_start3A_36, %dma_start3A_37, %dma_start3A_38] : memref<5x80x80xf32, #tpu.memory_space<vmem>> -> memref<1x80x80xf32, #tpu.memory_space<vmem>>
    %dma_start3A_40 = tpu.memref_squeeze %dma_start3A_39 : memref<1x80x80xf32, #tpu.memory_space<vmem>> -> memref<80x80xf32, #tpu.memory_space<vmem>>
    %dma_start3A_41 = arith.constant 80 : i32
    %dma_start3A_42 = tpu.memref_slice %arg6[%dma_start3A_41] : memref<10000xi32, #tpu.memory_space<vmem>> -> memref<80xi32, #tpu.memory_space<vmem>>
    %dma_start3A_43 = arith.constant 0 : i32
    %dma_start3A_44 = arith.constant 0 : i32
    %dma_start3A_45 = tpu.memref_slice %arg2[%dma_start3A_43, %dma_start3A_44] : memref<10000x80xf32, #tpu.memory_space<hbm>> -> memref<10000x80xf32, #tpu.memory_space<hbm>>
    tpu.enqueue_indirect_dma source(%dma_start3A_45 : memref<10000x80xf32, #tpu.memory_space<hbm>>) target(%dma_start3A_40 : memref<80x80xf32, #tpu.memory_space<vmem>>) offsets(%dma_start3A_42 : memref<80xi32, #tpu.memory_space<vmem>>) semaphore(%arg13 : memref<!tpu.dma_semaphore, #tpu.memory_space<semaphore_mem>>)
    %dma_start3A_46 = arith.constant 2 : i32
    %dma_start3A_47 = arith.constant 0 : i32
    %dma_start3A_48 = arith.constant 0 : i32
    %dma_start3A_49 = tpu.memref_slice %arg9[%dma_start3A_46, %dma_start3A_47, %dma_start3A_48] : memref<5x80x80xf32, #tpu.memory_space<vmem>> -> memref<1x80x80xf32, #tpu.memory_space<vmem>>
    %dma_start3A_50 = tpu.memref_squeeze %dma_start3A_49 : memref<1x80x80xf32, #tpu.memory_space<vmem>> -> memref<80x80xf32, #tpu.memory_space<vmem>>
    %dma_start3A_51 = arith.constant 160 : i32
    %dma_start3A_52 = tpu.memref_slice %arg6[%dma_start3A_51] : memref<10000xi32, #tpu.memory_space<vmem>> -> memref<80xi32, #tpu.memory_space<vmem>>
    %dma_start3A_53 = arith.constant 0 : i32
    %dma_start3A_54 = arith.constant 0 : i32
    %dma_start3A_55 = tpu.memref_slice %arg2[%dma_start3A_53, %dma_start3A_54] : memref<10000x80xf32, #tpu.memory_space<hbm>> -> memref<10000x80xf32, #tpu.memory_space<hbm>>
    tpu.enqueue_indirect_dma source(%dma_start3A_55 : memref<10000x80xf32, #tpu.memory_space<hbm>>) target(%dma_start3A_50 : memref<80x80xf32, #tpu.memory_space<vmem>>) offsets(%dma_start3A_52 : memref<80xi32, #tpu.memory_space<vmem>>) semaphore(%arg14 : memref<!tpu.dma_semaphore, #tpu.memory_space<semaphore_mem>>)
    %dma_start3A_56 = arith.constant 3 : i32
    %dma_start3A_57 = arith.constant 0 : i32
    %dma_start3A_58 = arith.constant 0 : i32
    %dma_start3A_59 = tpu.memref_slice %arg9[%dma_start3A_56, %dma_start3A_57, %dma_start3A_58] : memref<5x80x80xf32, #tpu.memory_space<vmem>> -> memref<1x80x80xf32, #tpu.memory_space<vmem>>
    %dma_start3A_60 = tpu.memref_squeeze %dma_start3A_59 : memref<1x80x80xf32, #tpu.memory_space<vmem>> -> memref<80x80xf32, #tpu.memory_space<vmem>>
    %dma_start3A_61 = arith.constant 240 : i32
    %dma_start3A_62 = tpu.memref_slice %arg6[%dma_start3A_61] : memref<10000xi32, #tpu.memory_space<vmem>> -> memref<80xi32, #tpu.memory_space<vmem>>
    %dma_start3A_63 = arith.constant 0 : i32
    %dma_start3A_64 = arith.constant 0 : i32
    %dma_start3A_65 = tpu.memref_slice %arg2[%dma_start3A_63, %dma_start3A_64] : memref<10000x80xf32, #tpu.memory_space<hbm>> -> memref<10000x80xf32, #tpu.memory_space<hbm>>
    tpu.enqueue_indirect_dma source(%dma_start3A_65 : memref<10000x80xf32, #tpu.memory_space<hbm>>) target(%dma_start3A_60 : memref<80x80xf32, #tpu.memory_space<vmem>>) offsets(%dma_start3A_62 : memref<80xi32, #tpu.memory_space<vmem>>) semaphore(%arg15 : memref<!tpu.dma_semaphore, #tpu.memory_space<semaphore_mem>>)
    %dma_start3A_66 = arith.constant 4 : i32
    %dma_start3A_67 = arith.constant 0 : i32
    %dma_start3A_68 = arith.constant 0 : i32
    %dma_start3A_69 = tpu.memref_slice %arg9[%dma_start3A_66, %dma_start3A_67, %dma_start3A_68] : memref<5x80x80xf32, #tpu.memory_space<vmem>> -> memref<1x80x80xf32, #tpu.memory_space<vmem>>
    %dma_start3A_70 = tpu.memref_squeeze %dma_start3A_69 : memref<1x80x80xf32, #tpu.memory_space<vmem>> -> memref<80x80xf32, #tpu.memory_space<vmem>>
    %dma_start3A_71 = arith.constant 320 : i32
    %dma_start3A_72 = tpu.memref_slice %arg6[%dma_start3A_71] : memref<10000xi32, #tpu.memory_space<vmem>> -> memref<80xi32, #tpu.memory_space<vmem>>
    %dma_start3A_73 = arith.constant 0 : i32
    %dma_start3A_74 = arith.constant 0 : i32
    %dma_start3A_75 = tpu.memref_slice %arg2[%dma_start3A_73, %dma_start3A_74] : memref<10000x80xf32, #tpu.memory_space<hbm>> -> memref<10000x80xf32, #tpu.memory_space<hbm>>
    tpu.enqueue_indirect_dma source(%dma_start3A_75 : memref<10000x80xf32, #tpu.memory_space<hbm>>) target(%dma_start3A_70 : memref<80x80xf32, #tpu.memory_space<vmem>>) offsets(%dma_start3A_72 : memref<80xi32, #tpu.memory_space<vmem>>) semaphore(%arg16 : memref<!tpu.dma_semaphore, #tpu.memory_space<semaphore_mem>>)
    %scan3A_76 = arith.constant 0 : i32
    %scan3A_77 = arith.constant 25 : i32
    %scan3A_78 = arith.addi %scan3A_76, %scan3A_77 : i32
    %scan3A_79 = arith.constant 1 : i32
    scf.for %scan3A_91 = %scan3A_76 to %scan3A_78 step %scan3A_79  : i32 {
      %mul3A_92 = arith.constant 5 : i32
      %mul3A_93 = arith.muli %scan3A_91, %mul3A_92 : i32
      %add3A_94 = arith.constant 0 : i32
      %add3A_95 = arith.addi %mul3A_93, %add3A_94 : i32
      %mul3A_96 = arith.constant 80 : i32
      %mul3A_97 = arith.muli %add3A_95, %mul3A_96 : i32
      %dma_wait3A = arith.constant 0 : i32
      %dma_wait3A_98 = arith.constant 0 : i32
      %dma_wait3A_99 = arith.constant 0 : i32
      %dma_wait3A_100 = tpu.memref_slice %arg9[%dma_wait3A, %dma_wait3A_98, %dma_wait3A_99] : memref<5x80x80xf32, #tpu.memory_space<vmem>> -> memref<1x80x80xf32, #tpu.memory_space<vmem>>
      %dma_wait3A_101 = tpu.memref_squeeze %dma_wait3A_100 : memref<1x80x80xf32, #tpu.memory_space<vmem>> -> memref<80x80xf32, #tpu.memory_space<vmem>>
      %dma_wait3A_102 = tpu.memref_slice %arg6[%mul3A_97] : memref<10000xi32, #tpu.memory_space<vmem>> -> memref<80xi32, #tpu.memory_space<vmem>>
      %dma_wait3A_103 = arith.constant 0 : i32
      %dma_wait3A_104 = arith.constant 0 : i32
      %dma_wait3A_105 = tpu.memref_slice %arg2[%dma_wait3A_103, %dma_wait3A_104] : memref<10000x80xf32, #tpu.memory_space<hbm>> -> memref<10000x80xf32, #tpu.memory_space<hbm>>
      tpu.wait_indirect_dma semaphore(%arg12 : memref<!tpu.dma_semaphore, #tpu.memory_space<semaphore_mem>>) src(%dma_wait3A_105 : memref<10000x80xf32, #tpu.memory_space<hbm>>) dst(%dma_wait3A_101 : memref<80x80xf32, #tpu.memory_space<vmem>>)
      %add3A_106 = arith.constant 0 : i32
      %add3A_107 = arith.addi %mul3A_93, %add3A_106 : i32
      %dma_start3A_108 = arith.constant 0 : i32
      %dma_start3A_109 = arith.constant 0 : i32
      %dma_start3A_110 = arith.constant 0 : i32
      %dma_start3A_111 = tpu.memref_slice %arg9[%dma_start3A_108, %dma_start3A_109, %dma_start3A_110] : memref<5x80x80xf32, #tpu.memory_space<vmem>> -> memref<1x80x80xf32, #tpu.memory_space<vmem>>
      %dma_start3A_112 = tpu.memref_squeeze %dma_start3A_111 : memref<1x80x80xf32, #tpu.memory_space<vmem>> -> memref<80x80xf32, #tpu.memory_space<vmem>>
      %dma_start3A_113 = arith.constant 0 : i32
      %dma_start3A_114 = tpu.memref_slice %arg8[%add3A_107, %dma_start3A_113] : memref<125x80xi32, #tpu.memory_space<vmem>> -> memref<1x80xi32, #tpu.memory_space<vmem>>
      %dma_start3A_115 = tpu.memref_squeeze %dma_start3A_114 : memref<1x80xi32, #tpu.memory_space<vmem>> -> memref<80xi32, #tpu.memory_space<vmem>>
      %dma_start3A_116 = arith.constant 0 : i32
      %dma_start3A_117 = arith.constant 0 : i32
      %dma_start3A_118 = tpu.memref_slice %arg11[%dma_start3A_116, %dma_start3A_117] : memref<10000x80xf32, #tpu.memory_space<vmem_shared>> -> memref<10000x80xf32, #tpu.memory_space<vmem_shared>>
      tpu.enqueue_indirect_dma source(%dma_start3A_112 : memref<80x80xf32, #tpu.memory_space<vmem>>) target(%dma_start3A_118 : memref<10000x80xf32, #tpu.memory_space<vmem_shared>>) offsets(%dma_start3A_115 : memref<80xi32, #tpu.memory_space<vmem>>) semaphore(%arg17 : memref<!tpu.dma_semaphore, #tpu.memory_space<semaphore_mem>>) {add = true}
      %add3A_119 = arith.constant 1 : i32
      %add3A_120 = arith.addi %mul3A_93, %add3A_119 : i32
      %mul3A_121 = arith.constant 80 : i32
      %mul3A_122 = arith.muli %add3A_120, %mul3A_121 : i32
      %dma_wait3A_123 = arith.constant 1 : i32
      %dma_wait3A_124 = arith.constant 0 : i32
      %dma_wait3A_125 = arith.constant 0 : i32
      %dma_wait3A_126 = tpu.memref_slice %arg9[%dma_wait3A_123, %dma_wait3A_124, %dma_wait3A_125] : memref<5x80x80xf32, #tpu.memory_space<vmem>> -> memref<1x80x80xf32, #tpu.memory_space<vmem>>
      %dma_wait3A_127 = tpu.memref_squeeze %dma_wait3A_126 : memref<1x80x80xf32, #tpu.memory_space<vmem>> -> memref<80x80xf32, #tpu.memory_space<vmem>>
      %dma_wait3A_128 = tpu.memref_slice %arg6[%mul3A_122] : memref<10000xi32, #tpu.memory_space<vmem>> -> memref<80xi32, #tpu.memory_space<vmem>>
      %dma_wait3A_129 = arith.constant 0 : i32
      %dma_wait3A_130 = arith.constant 0 : i32
      %dma_wait3A_131 = tpu.memref_slice %arg2[%dma_wait3A_129, %dma_wait3A_130] : memref<10000x80xf32, #tpu.memory_space<hbm>> -> memref<10000x80xf32, #tpu.memory_space<hbm>>
      tpu.wait_indirect_dma semaphore(%arg13 : memref<!tpu.dma_semaphore, #tpu.memory_space<semaphore_mem>>) src(%dma_wait3A_131 : memref<10000x80xf32, #tpu.memory_space<hbm>>) dst(%dma_wait3A_127 : memref<80x80xf32, #tpu.memory_space<vmem>>)
      %add3A_132 = arith.constant 1 : i32
      %add3A_133 = arith.addi %mul3A_93, %add3A_132 : i32
      %dma_start3A_134 = arith.constant 1 : i32
      %dma_start3A_135 = arith.constant 0 : i32
      %dma_start3A_136 = arith.constant 0 : i32
      %dma_start3A_137 = tpu.memref_slice %arg9[%dma_start3A_134, %dma_start3A_135, %dma_start3A_136] : memref<5x80x80xf32, #tpu.memory_space<vmem>> -> memref<1x80x80xf32, #tpu.memory_space<vmem>>
      %dma_start3A_138 = tpu.memref_squeeze %dma_start3A_137 : memref<1x80x80xf32, #tpu.memory_space<vmem>> -> memref<80x80xf32, #tpu.memory_space<vmem>>
      %dma_start3A_139 = arith.constant 0 : i32
      %dma_start3A_140 = tpu.memref_slice %arg8[%add3A_133, %dma_start3A_139] : memref<125x80xi32, #tpu.memory_space<vmem>> -> memref<1x80xi32, #tpu.memory_space<vmem>>
      %dma_start3A_141 = tpu.memref_squeeze %dma_start3A_140 : memref<1x80xi32, #tpu.memory_space<vmem>> -> memref<80xi32, #tpu.memory_space<vmem>>
      %dma_start3A_142 = arith.constant 0 : i32
      %dma_start3A_143 = arith.constant 0 : i32
      %dma_start3A_144 = tpu.memref_slice %arg11[%dma_start3A_142, %dma_start3A_143] : memref<10000x80xf32, #tpu.memory_space<vmem_shared>> -> memref<10000x80xf32, #tpu.memory_space<vmem_shared>>
      tpu.enqueue_indirect_dma source(%dma_start3A_138 : memref<80x80xf32, #tpu.memory_space<vmem>>) target(%dma_start3A_144 : memref<10000x80xf32, #tpu.memory_space<vmem_shared>>) offsets(%dma_start3A_141 : memref<80xi32, #tpu.memory_space<vmem>>) semaphore(%arg18 : memref<!tpu.dma_semaphore, #tpu.memory_space<semaphore_mem>>) {add = true}
      %add3A_145 = arith.constant 2 : i32
      %add3A_146 = arith.addi %mul3A_93, %add3A_145 : i32
      %mul3A_147 = arith.constant 80 : i32
      %mul3A_148 = arith.muli %add3A_146, %mul3A_147 : i32
      %dma_wait3A_149 = arith.constant 2 : i32
      %dma_wait3A_150 = arith.constant 0 : i32
      %dma_wait3A_151 = arith.constant 0 : i32
      %dma_wait3A_152 = tpu.memref_slice %arg9[%dma_wait3A_149, %dma_wait3A_150, %dma_wait3A_151] : memref<5x80x80xf32, #tpu.memory_space<vmem>> -> memref<1x80x80xf32, #tpu.memory_space<vmem>>
      %dma_wait3A_153 = tpu.memref_squeeze %dma_wait3A_152 : memref<1x80x80xf32, #tpu.memory_space<vmem>> -> memref<80x80xf32, #tpu.memory_space<vmem>>
      %dma_wait3A_154 = tpu.memref_slice %arg6[%mul3A_148] : memref<10000xi32, #tpu.memory_space<vmem>> -> memref<80xi32, #tpu.memory_space<vmem>>
      %dma_wait3A_155 = arith.constant 0 : i32
      %dma_wait3A_156 = arith.constant 0 : i32
      %dma_wait3A_157 = tpu.memref_slice %arg2[%dma_wait3A_155, %dma_wait3A_156] : memref<10000x80xf32, #tpu.memory_space<hbm>> -> memref<10000x80xf32, #tpu.memory_space<hbm>>
      tpu.wait_indirect_dma semaphore(%arg14 : memref<!tpu.dma_semaphore, #tpu.memory_space<semaphore_mem>>) src(%dma_wait3A_157 : memref<10000x80xf32, #tpu.memory_space<hbm>>) dst(%dma_wait3A_153 : memref<80x80xf32, #tpu.memory_space<vmem>>)
      %add3A_158 = arith.constant 2 : i32
      %add3A_159 = arith.addi %mul3A_93, %add3A_158 : i32
      %dma_start3A_160 = arith.constant 2 : i32
      %dma_start3A_161 = arith.constant 0 : i32
      %dma_start3A_162 = arith.constant 0 : i32
      %dma_start3A_163 = tpu.memref_slice %arg9[%dma_start3A_160, %dma_start3A_161, %dma_start3A_162] : memref<5x80x80xf32, #tpu.memory_space<vmem>> -> memref<1x80x80xf32, #tpu.memory_space<vmem>>
      %dma_start3A_164 = tpu.memref_squeeze %dma_start3A_163 : memref<1x80x80xf32, #tpu.memory_space<vmem>> -> memref<80x80xf32, #tpu.memory_space<vmem>>
      %dma_start3A_165 = arith.constant 0 : i32
      %dma_start3A_166 = tpu.memref_slice %arg8[%add3A_159, %dma_start3A_165] : memref<125x80xi32, #tpu.memory_space<vmem>> -> memref<1x80xi32, #tpu.memory_space<vmem>>
      %dma_start3A_167 = tpu.memref_squeeze %dma_start3A_166 : memref<1x80xi32, #tpu.memory_space<vmem>> -> memref<80xi32, #tpu.memory_space<vmem>>
      %dma_start3A_168 = arith.constant 0 : i32
      %dma_start3A_169 = arith.constant 0 : i32
      %dma_start3A_170 = tpu.memref_slice %arg11[%dma_start3A_168, %dma_start3A_169] : memref<10000x80xf32, #tpu.memory_space<vmem_shared>> -> memref<10000x80xf32, #tpu.memory_space<vmem_shared>>
      tpu.enqueue_indirect_dma source(%dma_start3A_164 : memref<80x80xf32, #tpu.memory_space<vmem>>) target(%dma_start3A_170 : memref<10000x80xf32, #tpu.memory_space<vmem_shared>>) offsets(%dma_start3A_167 : memref<80xi32, #tpu.memory_space<vmem>>) semaphore(%arg19 : memref<!tpu.dma_semaphore, #tpu.memory_space<semaphore_mem>>) {add = true}
      %add3A_171 = arith.constant 3 : i32
      %add3A_172 = arith.addi %mul3A_93, %add3A_171 : i32
      %mul3A_173 = arith.constant 80 : i32
      %mul3A_174 = arith.muli %add3A_172, %mul3A_173 : i32
      %dma_wait3A_175 = arith.constant 3 : i32
      %dma_wait3A_176 = arith.constant 0 : i32
      %dma_wait3A_177 = arith.constant 0 : i32
      %dma_wait3A_178 = tpu.memref_slice %arg9[%dma_wait3A_175, %dma_wait3A_176, %dma_wait3A_177] : memref<5x80x80xf32, #tpu.memory_space<vmem>> -> memref<1x80x80xf32, #tpu.memory_space<vmem>>
      %dma_wait3A_179 = tpu.memref_squeeze %dma_wait3A_178 : memref<1x80x80xf32, #tpu.memory_space<vmem>> -> memref<80x80xf32, #tpu.memory_space<vmem>>
      %dma_wait3A_180 = tpu.memref_slice %arg6[%mul3A_174] : memref<10000xi32, #tpu.memory_space<vmem>> -> memref<80xi32, #tpu.memory_space<vmem>>
      %dma_wait3A_181 = arith.constant 0 : i32
      %dma_wait3A_182 = arith.constant 0 : i32
      %dma_wait3A_183 = tpu.memref_slice %arg2[%dma_wait3A_181, %dma_wait3A_182] : memref<10000x80xf32, #tpu.memory_space<hbm>> -> memref<10000x80xf32, #tpu.memory_space<hbm>>
      tpu.wait_indirect_dma semaphore(%arg15 : memref<!tpu.dma_semaphore, #tpu.memory_space<semaphore_mem>>) src(%dma_wait3A_183 : memref<10000x80xf32, #tpu.memory_space<hbm>>) dst(%dma_wait3A_179 : memref<80x80xf32, #tpu.memory_space<vmem>>)
      %add3A_184 = arith.constant 3 : i32
      %add3A_185 = arith.addi %mul3A_93, %add3A_184 : i32
      %dma_start3A_186 = arith.constant 3 : i32
      %dma_start3A_187 = arith.constant 0 : i32
      %dma_start3A_188 = arith.constant 0 : i32
      %dma_start3A_189 = tpu.memref_slice %arg9[%dma_start3A_186, %dma_start3A_187, %dma_start3A_188] : memref<5x80x80xf32, #tpu.memory_space<vmem>> -> memref<1x80x80xf32, #tpu.memory_space<vmem>>
      %dma_start3A_190 = tpu.memref_squeeze %dma_start3A_189 : memref<1x80x80xf32, #tpu.memory_space<vmem>> -> memref<80x80xf32, #tpu.memory_space<vmem>>
      %dma_start3A_191 = arith.constant 0 : i32
      %dma_start3A_192 = tpu.memref_slice %arg8[%add3A_185, %dma_start3A_191] : memref<125x80xi32, #tpu.memory_space<vmem>> -> memref<1x80xi32, #tpu.memory_space<vmem>>
      %dma_start3A_193 = tpu.memref_squeeze %dma_start3A_192 : memref<1x80xi32, #tpu.memory_space<vmem>> -> memref<80xi32, #tpu.memory_space<vmem>>
      %dma_start3A_194 = arith.constant 0 : i32
      %dma_start3A_195 = arith.constant 0 : i32
      %dma_start3A_196 = tpu.memref_slice %arg11[%dma_start3A_194, %dma_start3A_195] : memref<10000x80xf32, #tpu.memory_space<vmem_shared>> -> memref<10000x80xf32, #tpu.memory_space<vmem_shared>>
      tpu.enqueue_indirect_dma source(%dma_start3A_190 : memref<80x80xf32, #tpu.memory_space<vmem>>) target(%dma_start3A_196 : memref<10000x80xf32, #tpu.memory_space<vmem_shared>>) offsets(%dma_start3A_193 : memref<80xi32, #tpu.memory_space<vmem>>) semaphore(%arg20 : memref<!tpu.dma_semaphore, #tpu.memory_space<semaphore_mem>>) {add = true}
      %add3A_197 = arith.constant 4 : i32
      %add3A_198 = arith.addi %mul3A_93, %add3A_197 : i32
      %mul3A_199 = arith.constant 80 : i32
      %mul3A_200 = arith.muli %add3A_198, %mul3A_199 : i32
      %dma_wait3A_201 = arith.constant 4 : i32
      %dma_wait3A_202 = arith.constant 0 : i32
      %dma_wait3A_203 = arith.constant 0 : i32
      %dma_wait3A_204 = tpu.memref_slice %arg9[%dma_wait3A_201, %dma_wait3A_202, %dma_wait3A_203] : memref<5x80x80xf32, #tpu.memory_space<vmem>> -> memref<1x80x80xf32, #tpu.memory_space<vmem>>
      %dma_wait3A_205 = tpu.memref_squeeze %dma_wait3A_204 : memref<1x80x80xf32, #tpu.memory_space<vmem>> -> memref<80x80xf32, #tpu.memory_space<vmem>>
      %dma_wait3A_206 = tpu.memref_slice %arg6[%mul3A_200] : memref<10000xi32, #tpu.memory_space<vmem>> -> memref<80xi32, #tpu.memory_space<vmem>>
      %dma_wait3A_207 = arith.constant 0 : i32
      %dma_wait3A_208 = arith.constant 0 : i32
      %dma_wait3A_209 = tpu.memref_slice %arg2[%dma_wait3A_207, %dma_wait3A_208] : memref<10000x80xf32, #tpu.memory_space<hbm>> -> memref<10000x80xf32, #tpu.memory_space<hbm>>
      tpu.wait_indirect_dma semaphore(%arg16 : memref<!tpu.dma_semaphore, #tpu.memory_space<semaphore_mem>>) src(%dma_wait3A_209 : memref<10000x80xf32, #tpu.memory_space<hbm>>) dst(%dma_wait3A_205 : memref<80x80xf32, #tpu.memory_space<vmem>>)
      %add3A_210 = arith.constant 4 : i32
      %add3A_211 = arith.addi %mul3A_93, %add3A_210 : i32
      %dma_start3A_212 = arith.constant 4 : i32
      %dma_start3A_213 = arith.constant 0 : i32
      %dma_start3A_214 = arith.constant 0 : i32
      %dma_start3A_215 = tpu.memref_slice %arg9[%dma_start3A_212, %dma_start3A_213, %dma_start3A_214] : memref<5x80x80xf32, #tpu.memory_space<vmem>> -> memref<1x80x80xf32, #tpu.memory_space<vmem>>
      %dma_start3A_216 = tpu.memref_squeeze %dma_start3A_215 : memref<1x80x80xf32, #tpu.memory_space<vmem>> -> memref<80x80xf32, #tpu.memory_space<vmem>>
      %dma_start3A_217 = arith.constant 0 : i32
      %dma_start3A_218 = tpu.memref_slice %arg8[%add3A_211, %dma_start3A_217] : memref<125x80xi32, #tpu.memory_space<vmem>> -> memref<1x80xi32, #tpu.memory_space<vmem>>
      %dma_start3A_219 = tpu.memref_squeeze %dma_start3A_218 : memref<1x80xi32, #tpu.memory_space<vmem>> -> memref<80xi32, #tpu.memory_space<vmem>>
      %dma_start3A_220 = arith.constant 0 : i32
      %dma_start3A_221 = arith.constant 0 : i32
      %dma_start3A_222 = tpu.memref_slice %arg11[%dma_start3A_220, %dma_start3A_221] : memref<10000x80xf32, #tpu.memory_space<vmem_shared>> -> memref<10000x80xf32, #tpu.memory_space<vmem_shared>>
      tpu.enqueue_indirect_dma source(%dma_start3A_216 : memref<80x80xf32, #tpu.memory_space<vmem>>) target(%dma_start3A_222 : memref<10000x80xf32, #tpu.memory_space<vmem_shared>>) offsets(%dma_start3A_219 : memref<80xi32, #tpu.memory_space<vmem>>) semaphore(%arg21 : memref<!tpu.dma_semaphore, #tpu.memory_space<semaphore_mem>>) {add = true}
      %add3A_223 = arith.constant 0 : i32
      %add3A_224 = arith.addi %mul3A_93, %add3A_223 : i32
      %dma_wait3A_225 = arith.constant 0 : i32
      %dma_wait3A_226 = arith.constant 0 : i32
      %dma_wait3A_227 = arith.constant 0 : i32
      %dma_wait3A_228 = tpu.memref_slice %arg9[%dma_wait3A_225, %dma_wait3A_226, %dma_wait3A_227] : memref<5x80x80xf32, #tpu.memory_space<vmem>> -> memref<1x80x80xf32, #tpu.memory_space<vmem>>
      %dma_wait3A_229 = tpu.memref_squeeze %dma_wait3A_228 : memref<1x80x80xf32, #tpu.memory_space<vmem>> -> memref<80x80xf32, #tpu.memory_space<vmem>>
      %dma_wait3A_230 = arith.constant 0 : i32
      %dma_wait3A_231 = tpu.memref_slice %arg8[%add3A_224, %dma_wait3A_230] : memref<125x80xi32, #tpu.memory_space<vmem>> -> memref<1x80xi32, #tpu.memory_space<vmem>>
      %dma_wait3A_232 = tpu.memref_squeeze %dma_wait3A_231 : memref<1x80xi32, #tpu.memory_space<vmem>> -> memref<80xi32, #tpu.memory_space<vmem>>
      %dma_wait3A_233 = arith.constant 0 : i32
      %dma_wait3A_234 = arith.constant 0 : i32
      %dma_wait3A_235 = tpu.memref_slice %arg11[%dma_wait3A_233, %dma_wait3A_234] : memref<10000x80xf32, #tpu.memory_space<vmem_shared>> -> memref<10000x80xf32, #tpu.memory_space<vmem_shared>>
      tpu.wait_indirect_dma semaphore(%arg17 : memref<!tpu.dma_semaphore, #tpu.memory_space<semaphore_mem>>) src(%dma_wait3A_229 : memref<80x80xf32, #tpu.memory_space<vmem>>) dst(%dma_wait3A_235 : memref<10000x80xf32, #tpu.memory_space<vmem_shared>>)
      %lt3A = arith.constant 24 : i32
      %lt3A_236 = arith.cmpi slt, %scan3A_91, %lt3A : i32
      %convert_element_type3A = arith.extui %lt3A_236 : i1 to i32
      %cond3A = arith.constant 0 : i32
      %cond3A_237 = arith.cmpi ne, %convert_element_type3A, %cond3A : i32
      scf.if %cond3A_237 {
        %add3A_310 = arith.constant 0 : i32
        %add3A_311 = arith.addi %mul3A_93, %add3A_310 : i32
        %add3A_312 = arith.constant 5 : i32
        %add3A_313 = arith.addi %add3A_311, %add3A_312 : i32
        %mul3A_314 = arith.constant 80 : i32
        %mul3A_315 = arith.muli %add3A_313, %mul3A_314 : i32
        %dma_start3A_316 = arith.constant 0 : i32
        %dma_start3A_317 = arith.constant 0 : i32
        %dma_start3A_318 = arith.constant 0 : i32
        %dma_start3A_319 = tpu.memref_slice %arg9[%dma_start3A_316, %dma_start3A_317, %dma_start3A_318] : memref<5x80x80xf32, #tpu.memory_space<vmem>> -> memref<1x80x80xf32, #tpu.memory_space<vmem>>
        %dma_start3A_320 = tpu.memref_squeeze %dma_start3A_319 : memref<1x80x80xf32, #tpu.memory_space<vmem>> -> memref<80x80xf32, #tpu.memory_space<vmem>>
        %dma_start3A_321 = tpu.memref_slice %arg6[%mul3A_315] : memref<10000xi32, #tpu.memory_space<vmem>> -> memref<80xi32, #tpu.memory_space<vmem>>
        %dma_start3A_322 = arith.constant 0 : i32
        %dma_start3A_323 = arith.constant 0 : i32
        %dma_start3A_324 = tpu.memref_slice %arg2[%dma_start3A_322, %dma_start3A_323] : memref<10000x80xf32, #tpu.memory_space<hbm>> -> memref<10000x80xf32, #tpu.memory_space<hbm>>
        tpu.enqueue_indirect_dma source(%dma_start3A_324 : memref<10000x80xf32, #tpu.memory_space<hbm>>) target(%dma_start3A_320 : memref<80x80xf32, #tpu.memory_space<vmem>>) offsets(%dma_start3A_321 : memref<80xi32, #tpu.memory_space<vmem>>) semaphore(%arg12 : memref<!tpu.dma_semaphore, #tpu.memory_space<semaphore_mem>>)
      } else {
      }
      %add3A_238 = arith.constant 1 : i32
      %add3A_239 = arith.addi %mul3A_93, %add3A_238 : i32
      %dma_wait3A_240 = arith.constant 1 : i32
      %dma_wait3A_241 = arith.constant 0 : i32
      %dma_wait3A_242 = arith.constant 0 : i32
      %dma_wait3A_243 = tpu.memref_slice %arg9[%dma_wait3A_240, %dma_wait3A_241, %dma_wait3A_242] : memref<5x80x80xf32, #tpu.memory_space<vmem>> -> memref<1x80x80xf32, #tpu.memory_space<vmem>>
      %dma_wait3A_244 = tpu.memref_squeeze %dma_wait3A_243 : memref<1x80x80xf32, #tpu.memory_space<vmem>> -> memref<80x80xf32, #tpu.memory_space<vmem>>
      %dma_wait3A_245 = arith.constant 0 : i32
      %dma_wait3A_246 = tpu.memref_slice %arg8[%add3A_239, %dma_wait3A_245] : memref<125x80xi32, #tpu.memory_space<vmem>> -> memref<1x80xi32, #tpu.memory_space<vmem>>
      %dma_wait3A_247 = tpu.memref_squeeze %dma_wait3A_246 : memref<1x80xi32, #tpu.memory_space<vmem>> -> memref<80xi32, #tpu.memory_space<vmem>>
      %dma_wait3A_248 = arith.constant 0 : i32
      %dma_wait3A_249 = arith.constant 0 : i32
      %dma_wait3A_250 = tpu.memref_slice %arg11[%dma_wait3A_248, %dma_wait3A_249] : memref<10000x80xf32, #tpu.memory_space<vmem_shared>> -> memref<10000x80xf32, #tpu.memory_space<vmem_shared>>
      tpu.wait_indirect_dma semaphore(%arg18 : memref<!tpu.dma_semaphore, #tpu.memory_space<semaphore_mem>>) src(%dma_wait3A_244 : memref<80x80xf32, #tpu.memory_space<vmem>>) dst(%dma_wait3A_250 : memref<10000x80xf32, #tpu.memory_space<vmem_shared>>)
      %lt3A_251 = arith.constant 24 : i32
      %lt3A_252 = arith.cmpi slt, %scan3A_91, %lt3A_251 : i32
      %convert_element_type3A_253 = arith.extui %lt3A_252 : i1 to i32
      %cond3A_254 = arith.constant 0 : i32
      %cond3A_255 = arith.cmpi ne, %convert_element_type3A_253, %cond3A_254 : i32
      scf.if %cond3A_255 {
        %add3A_310 = arith.constant 1 : i32
        %add3A_311 = arith.addi %mul3A_93, %add3A_310 : i32
        %add3A_312 = arith.constant 5 : i32
        %add3A_313 = arith.addi %add3A_311, %add3A_312 : i32
        %mul3A_314 = arith.constant 80 : i32
        %mul3A_315 = arith.muli %add3A_313, %mul3A_314 : i32
        %dma_start3A_316 = arith.constant 1 : i32
        %dma_start3A_317 = arith.constant 0 : i32
        %dma_start3A_318 = arith.constant 0 : i32
        %dma_start3A_319 = tpu.memref_slice %arg9[%dma_start3A_316, %dma_start3A_317, %dma_start3A_318] : memref<5x80x80xf32, #tpu.memory_space<vmem>> -> memref<1x80x80xf32, #tpu.memory_space<vmem>>
        %dma_start3A_320 = tpu.memref_squeeze %dma_start3A_319 : memref<1x80x80xf32, #tpu.memory_space<vmem>> -> memref<80x80xf32, #tpu.memory_space<vmem>>
        %dma_start3A_321 = tpu.memref_slice %arg6[%mul3A_315] : memref<10000xi32, #tpu.memory_space<vmem>> -> memref<80xi32, #tpu.memory_space<vmem>>
        %dma_start3A_322 = arith.constant 0 : i32
        %dma_start3A_323 = arith.constant 0 : i32
        %dma_start3A_324 = tpu.memref_slice %arg2[%dma_start3A_322, %dma_start3A_323] : memref<10000x80xf32, #tpu.memory_space<hbm>> -> memref<10000x80xf32, #tpu.memory_space<hbm>>
        tpu.enqueue_indirect_dma source(%dma_start3A_324 : memref<10000x80xf32, #tpu.memory_space<hbm>>) target(%dma_start3A_320 : memref<80x80xf32, #tpu.memory_space<vmem>>) offsets(%dma_start3A_321 : memref<80xi32, #tpu.memory_space<vmem>>) semaphore(%arg13 : memref<!tpu.dma_semaphore, #tpu.memory_space<semaphore_mem>>)
      } else {
      }
      %add3A_256 = arith.constant 2 : i32
      %add3A_257 = arith.addi %mul3A_93, %add3A_256 : i32
      %dma_wait3A_258 = arith.constant 2 : i32
      %dma_wait3A_259 = arith.constant 0 : i32
      %dma_wait3A_260 = arith.constant 0 : i32
      %dma_wait3A_261 = tpu.memref_slice %arg9[%dma_wait3A_258, %dma_wait3A_259, %dma_wait3A_260] : memref<5x80x80xf32, #tpu.memory_space<vmem>> -> memref<1x80x80xf32, #tpu.memory_space<vmem>>
      %dma_wait3A_262 = tpu.memref_squeeze %dma_wait3A_261 : memref<1x80x80xf32, #tpu.memory_space<vmem>> -> memref<80x80xf32, #tpu.memory_space<vmem>>
      %dma_wait3A_263 = arith.constant 0 : i32
      %dma_wait3A_264 = tpu.memref_slice %arg8[%add3A_257, %dma_wait3A_263] : memref<125x80xi32, #tpu.memory_space<vmem>> -> memref<1x80xi32, #tpu.memory_space<vmem>>
      %dma_wait3A_265 = tpu.memref_squeeze %dma_wait3A_264 : memref<1x80xi32, #tpu.memory_space<vmem>> -> memref<80xi32, #tpu.memory_space<vmem>>
      %dma_wait3A_266 = arith.constant 0 : i32
      %dma_wait3A_267 = arith.constant 0 : i32
      %dma_wait3A_268 = tpu.memref_slice %arg11[%dma_wait3A_266, %dma_wait3A_267] : memref<10000x80xf32, #tpu.memory_space<vmem_shared>> -> memref<10000x80xf32, #tpu.memory_space<vmem_shared>>
      tpu.wait_indirect_dma semaphore(%arg19 : memref<!tpu.dma_semaphore, #tpu.memory_space<semaphore_mem>>) src(%dma_wait3A_262 : memref<80x80xf32, #tpu.memory_space<vmem>>) dst(%dma_wait3A_268 : memref<10000x80xf32, #tpu.memory_space<vmem_shared>>)
      %lt3A_269 = arith.constant 24 : i32
      %lt3A_270 = arith.cmpi slt, %scan3A_91, %lt3A_269 : i32
      %convert_element_type3A_271 = arith.extui %lt3A_270 : i1 to i32
      %cond3A_272 = arith.constant 0 : i32
      %cond3A_273 = arith.cmpi ne, %convert_element_type3A_271, %cond3A_272 : i32
      scf.if %cond3A_273 {
        %add3A_310 = arith.constant 2 : i32
        %add3A_311 = arith.addi %mul3A_93, %add3A_310 : i32
        %add3A_312 = arith.constant 5 : i32
        %add3A_313 = arith.addi %add3A_311, %add3A_312 : i32
        %mul3A_314 = arith.constant 80 : i32
        %mul3A_315 = arith.muli %add3A_313, %mul3A_314 : i32
        %dma_start3A_316 = arith.constant 2 : i32
        %dma_start3A_317 = arith.constant 0 : i32
        %dma_start3A_318 = arith.constant 0 : i32
        %dma_start3A_319 = tpu.memref_slice %arg9[%dma_start3A_316, %dma_start3A_317, %dma_start3A_318] : memref<5x80x80xf32, #tpu.memory_space<vmem>> -> memref<1x80x80xf32, #tpu.memory_space<vmem>>
        %dma_start3A_320 = tpu.memref_squeeze %dma_start3A_319 : memref<1x80x80xf32, #tpu.memory_space<vmem>> -> memref<80x80xf32, #tpu.memory_space<vmem>>
        %dma_start3A_321 = tpu.memref_slice %arg6[%mul3A_315] : memref<10000xi32, #tpu.memory_space<vmem>> -> memref<80xi32, #tpu.memory_space<vmem>>
        %dma_start3A_322 = arith.constant 0 : i32
        %dma_start3A_323 = arith.constant 0 : i32
        %dma_start3A_324 = tpu.memref_slice %arg2[%dma_start3A_322, %dma_start3A_323] : memref<10000x80xf32, #tpu.memory_space<hbm>> -> memref<10000x80xf32, #tpu.memory_space<hbm>>
        tpu.enqueue_indirect_dma source(%dma_start3A_324 : memref<10000x80xf32, #tpu.memory_space<hbm>>) target(%dma_start3A_320 : memref<80x80xf32, #tpu.memory_space<vmem>>) offsets(%dma_start3A_321 : memref<80xi32, #tpu.memory_space<vmem>>) semaphore(%arg14 : memref<!tpu.dma_semaphore, #tpu.memory_space<semaphore_mem>>)
      } else {
      }
      %add3A_274 = arith.constant 3 : i32
      %add3A_275 = arith.addi %mul3A_93, %add3A_274 : i32
      %dma_wait3A_276 = arith.constant 3 : i32
      %dma_wait3A_277 = arith.constant 0 : i32
      %dma_wait3A_278 = arith.constant 0 : i32
      %dma_wait3A_279 = tpu.memref_slice %arg9[%dma_wait3A_276, %dma_wait3A_277, %dma_wait3A_278] : memref<5x80x80xf32, #tpu.memory_space<vmem>> -> memref<1x80x80xf32, #tpu.memory_space<vmem>>
      %dma_wait3A_280 = tpu.memref_squeeze %dma_wait3A_279 : memref<1x80x80xf32, #tpu.memory_space<vmem>> -> memref<80x80xf32, #tpu.memory_space<vmem>>
      %dma_wait3A_281 = arith.constant 0 : i32
      %dma_wait3A_282 = tpu.memref_slice %arg8[%add3A_275, %dma_wait3A_281] : memref<125x80xi32, #tpu.memory_space<vmem>> -> memref<1x80xi32, #tpu.memory_space<vmem>>
      %dma_wait3A_283 = tpu.memref_squeeze %dma_wait3A_282 : memref<1x80xi32, #tpu.memory_space<vmem>> -> memref<80xi32, #tpu.memory_space<vmem>>
      %dma_wait3A_284 = arith.constant 0 : i32
      %dma_wait3A_285 = arith.constant 0 : i32
      %dma_wait3A_286 = tpu.memref_slice %arg11[%dma_wait3A_284, %dma_wait3A_285] : memref<10000x80xf32, #tpu.memory_space<vmem_shared>> -> memref<10000x80xf32, #tpu.memory_space<vmem_shared>>
      tpu.wait_indirect_dma semaphore(%arg20 : memref<!tpu.dma_semaphore, #tpu.memory_space<semaphore_mem>>) src(%dma_wait3A_280 : memref<80x80xf32, #tpu.memory_space<vmem>>) dst(%dma_wait3A_286 : memref<10000x80xf32, #tpu.memory_space<vmem_shared>>)
      %lt3A_287 = arith.constant 24 : i32
      %lt3A_288 = arith.cmpi slt, %scan3A_91, %lt3A_287 : i32
      %convert_element_type3A_289 = arith.extui %lt3A_288 : i1 to i32
      %cond3A_290 = arith.constant 0 : i32
      %cond3A_291 = arith.cmpi ne, %convert_element_type3A_289, %cond3A_290 : i32
      scf.if %cond3A_291 {
        %add3A_310 = arith.constant 3 : i32
        %add3A_311 = arith.addi %mul3A_93, %add3A_310 : i32
        %add3A_312 = arith.constant 5 : i32
        %add3A_313 = arith.addi %add3A_311, %add3A_312 : i32
        %mul3A_314 = arith.constant 80 : i32
        %mul3A_315 = arith.muli %add3A_313, %mul3A_314 : i32
        %dma_start3A_316 = arith.constant 3 : i32
        %dma_start3A_317 = arith.constant 0 : i32
        %dma_start3A_318 = arith.constant 0 : i32
        %dma_start3A_319 = tpu.memref_slice %arg9[%dma_start3A_316, %dma_start3A_317, %dma_start3A_318] : memref<5x80x80xf32, #tpu.memory_space<vmem>> -> memref<1x80x80xf32, #tpu.memory_space<vmem>>
        %dma_start3A_320 = tpu.memref_squeeze %dma_start3A_319 : memref<1x80x80xf32, #tpu.memory_space<vmem>> -> memref<80x80xf32, #tpu.memory_space<vmem>>
        %dma_start3A_321 = tpu.memref_slice %arg6[%mul3A_315] : memref<10000xi32, #tpu.memory_space<vmem>> -> memref<80xi32, #tpu.memory_space<vmem>>
        %dma_start3A_322 = arith.constant 0 : i32
        %dma_start3A_323 = arith.constant 0 : i32
        %dma_start3A_324 = tpu.memref_slice %arg2[%dma_start3A_322, %dma_start3A_323] : memref<10000x80xf32, #tpu.memory_space<hbm>> -> memref<10000x80xf32, #tpu.memory_space<hbm>>
        tpu.enqueue_indirect_dma source(%dma_start3A_324 : memref<10000x80xf32, #tpu.memory_space<hbm>>) target(%dma_start3A_320 : memref<80x80xf32, #tpu.memory_space<vmem>>) offsets(%dma_start3A_321 : memref<80xi32, #tpu.memory_space<vmem>>) semaphore(%arg15 : memref<!tpu.dma_semaphore, #tpu.memory_space<semaphore_mem>>)
      } else {
      }
      %add3A_292 = arith.constant 4 : i32
      %add3A_293 = arith.addi %mul3A_93, %add3A_292 : i32
      %dma_wait3A_294 = arith.constant 4 : i32
      %dma_wait3A_295 = arith.constant 0 : i32
      %dma_wait3A_296 = arith.constant 0 : i32
      %dma_wait3A_297 = tpu.memref_slice %arg9[%dma_wait3A_294, %dma_wait3A_295, %dma_wait3A_296] : memref<5x80x80xf32, #tpu.memory_space<vmem>> -> memref<1x80x80xf32, #tpu.memory_space<vmem>>
      %dma_wait3A_298 = tpu.memref_squeeze %dma_wait3A_297 : memref<1x80x80xf32, #tpu.memory_space<vmem>> -> memref<80x80xf32, #tpu.memory_space<vmem>>
      %dma_wait3A_299 = arith.constant 0 : i32
      %dma_wait3A_300 = tpu.memref_slice %arg8[%add3A_293, %dma_wait3A_299] : memref<125x80xi32, #tpu.memory_space<vmem>> -> memref<1x80xi32, #tpu.memory_space<vmem>>
      %dma_wait3A_301 = tpu.memref_squeeze %dma_wait3A_300 : memref<1x80xi32, #tpu.memory_space<vmem>> -> memref<80xi32, #tpu.memory_space<vmem>>
      %dma_wait3A_302 = arith.constant 0 : i32
      %dma_wait3A_303 = arith.constant 0 : i32
      %dma_wait3A_304 = tpu.memref_slice %arg11[%dma_wait3A_302, %dma_wait3A_303] : memref<10000x80xf32, #tpu.memory_space<vmem_shared>> -> memref<10000x80xf32, #tpu.memory_space<vmem_shared>>
      tpu.wait_indirect_dma semaphore(%arg21 : memref<!tpu.dma_semaphore, #tpu.memory_space<semaphore_mem>>) src(%dma_wait3A_298 : memref<80x80xf32, #tpu.memory_space<vmem>>) dst(%dma_wait3A_304 : memref<10000x80xf32, #tpu.memory_space<vmem_shared>>)
      %lt3A_305 = arith.constant 24 : i32
      %lt3A_306 = arith.cmpi slt, %scan3A_91, %lt3A_305 : i32
      %convert_element_type3A_307 = arith.extui %lt3A_306 : i1 to i32
      %cond3A_308 = arith.constant 0 : i32
      %cond3A_309 = arith.cmpi ne, %convert_element_type3A_307, %cond3A_308 : i32
      scf.if %cond3A_309 {
        %add3A_310 = arith.constant 4 : i32
        %add3A_311 = arith.addi %mul3A_93, %add3A_310 : i32
        %add3A_312 = arith.constant 5 : i32
        %add3A_313 = arith.addi %add3A_311, %add3A_312 : i32
        %mul3A_314 = arith.constant 80 : i32
        %mul3A_315 = arith.muli %add3A_313, %mul3A_314 : i32
        %dma_start3A_316 = arith.constant 4 : i32
        %dma_start3A_317 = arith.constant 0 : i32
        %dma_start3A_318 = arith.constant 0 : i32
        %dma_start3A_319 = tpu.memref_slice %arg9[%dma_start3A_316, %dma_start3A_317, %dma_start3A_318] : memref<5x80x80xf32, #tpu.memory_space<vmem>> -> memref<1x80x80xf32, #tpu.memory_space<vmem>>
        %dma_start3A_320 = tpu.memref_squeeze %dma_start3A_319 : memref<1x80x80xf32, #tpu.memory_space<vmem>> -> memref<80x80xf32, #tpu.memory_space<vmem>>
        %dma_start3A_321 = tpu.memref_slice %arg6[%mul3A_315] : memref<10000xi32, #tpu.memory_space<vmem>> -> memref<80xi32, #tpu.memory_space<vmem>>
        %dma_start3A_322 = arith.constant 0 : i32
        %dma_start3A_323 = arith.constant 0 : i32
        %dma_start3A_324 = tpu.memref_slice %arg2[%dma_start3A_322, %dma_start3A_323] : memref<10000x80xf32, #tpu.memory_space<hbm>> -> memref<10000x80xf32, #tpu.memory_space<hbm>>
        tpu.enqueue_indirect_dma source(%dma_start3A_324 : memref<10000x80xf32, #tpu.memory_space<hbm>>) target(%dma_start3A_320 : memref<80x80xf32, #tpu.memory_space<vmem>>) offsets(%dma_start3A_321 : memref<80xi32, #tpu.memory_space<vmem>>) semaphore(%arg16 : memref<!tpu.dma_semaphore, #tpu.memory_space<semaphore_mem>>)
      } else {
      }
    }
    %scan3A_80 = arith.constant 25 : i32
    %barrier3A_81 = arith.constant 0 : index
    tpu.barrier barrier_id(%barrier3A_81)
    %while3A_82 = arith.constant 0 : i32
    %while3A_83 = arith.subi %min3A_18, %while3A_82 : i32
    %while3A_84 = arith.addi %while3A_82, %while3A_83 : i32
    %while3A_85 = arith.constant 1 : i32
    %while3A_86 = arith.divsi %while3A_83, %while3A_85 : i32
    %while3A_87 = arith.muli %while3A_86, %while3A_85 : i32
    %while3A_88 = arith.addi %while3A_82, %while3A_87 : i32
    %while3A_89 = arith.constant 1 : i32
    scf.for %while3A_91 = %while3A_82 to %while3A_88 step %while3A_89  : i32 {
      %mul3A_92 = arith.constant 8 : i32
      %mul3A_93 = arith.muli %arg1, %mul3A_92 : i32
      %add3A_94 = arith.addi %mul3A_93, %while3A_91 : i32
      %mul3A_95 = arith.constant 80 : i32
      %mul3A_96 = arith.muli %add3A_94, %mul3A_95 : i32
      %eq3A = arith.constant 0 : i32
      %eq3A_97 = arith.cmpi eq, %arg0, %eq3A : i32
      %convert_element_type3A = arith.extui %eq3A_97 : i1 to i32
      %cond3A = arith.constant 0 : i32
      %cond3A_98 = arith.cmpi ne, %convert_element_type3A, %cond3A : i32
      scf.if %cond3A_98 {
        "tpu.region"() ({
          %run_scoped3A_104 = tpu.sem_alloc : memref<!tpu.dma_semaphore, #tpu.memory_space<semaphore_mem>>
          %dma_start3A_105 = arith.constant 0 : i32
          %dma_start3A_106 = tpu.memref_slice %arg4[%mul3A_96, %dma_start3A_105] : memref<10000x80xf32, #tpu.memory_space<hbm>> -> memref<80x80xf32, #tpu.memory_space<hbm>>
          %dma_start3A_107 = arith.constant 0 : i32
          %dma_start3A_108 = tpu.memref_slice %arg11[%mul3A_96, %dma_start3A_107] : memref<10000x80xf32, #tpu.memory_space<vmem_shared>> -> memref<80x80xf32, #tpu.memory_space<vmem_shared>>
          tpu.enqueue_dma source(%dma_start3A_108 : memref<80x80xf32, #tpu.memory_space<vmem_shared>>) target(%dma_start3A_106 : memref<80x80xf32, #tpu.memory_space<hbm>>) target_semaphore(%run_scoped3A_104 : memref<!tpu.dma_semaphore, #tpu.memory_space<semaphore_mem>>)
          %dma_wait3A = arith.constant 0 : i32
          %dma_wait3A_109 = tpu.memref_slice %arg4[%mul3A_96, %dma_wait3A] : memref<10000x80xf32, #tpu.memory_space<hbm>> -> memref<80x80xf32, #tpu.memory_space<hbm>>
          %dma_wait3A_110 = arith.constant 0 : i32
          %dma_wait3A_111 = tpu.memref_slice %arg11[%mul3A_96, %dma_wait3A_110] : memref<10000x80xf32, #tpu.memory_space<vmem_shared>> -> memref<80x80xf32, #tpu.memory_space<vmem_shared>>
          tpu.wait_dma2 semaphore(%run_scoped3A_104 : memref<!tpu.dma_semaphore, #tpu.memory_space<semaphore_mem>>) src(%dma_wait3A_111 : memref<80x80xf32, #tpu.memory_space<vmem_shared>>) dst(%dma_wait3A_109 : memref<80x80xf32, #tpu.memory_space<hbm>>)
          tpu.yield
        }) : () -> ()
      } else {
      }
      %eq3A_99 = arith.constant 1 : i32
      %eq3A_100 = arith.cmpi eq, %arg0, %eq3A_99 : i32
      %convert_element_type3A_101 = arith.extui %eq3A_100 : i1 to i32
      %cond3A_102 = arith.constant 0 : i32
      %cond3A_103 = arith.cmpi ne, %convert_element_type3A_101, %cond3A_102 : i32
      scf.if %cond3A_103 {
        "tpu.region"() ({
          %run_scoped3A_104 = tpu.sem_alloc : memref<!tpu.dma_semaphore, #tpu.memory_space<semaphore_mem>>
          %dma_start3A_105 = arith.constant 0 : i32
          %dma_start3A_106 = tpu.memref_slice %arg5[%mul3A_96, %dma_start3A_105] : memref<10000x80xf32, #tpu.memory_space<hbm>> -> memref<80x80xf32, #tpu.memory_space<hbm>>
          %dma_start3A_107 = arith.constant 0 : i32
          %dma_start3A_108 = tpu.memref_slice %arg11[%mul3A_96, %dma_start3A_107] : memref<10000x80xf32, #tpu.memory_space<vmem_shared>> -> memref<80x80xf32, #tpu.memory_space<vmem_shared>>
          tpu.enqueue_dma source(%dma_start3A_108 : memref<80x80xf32, #tpu.memory_space<vmem_shared>>) target(%dma_start3A_106 : memref<80x80xf32, #tpu.memory_space<hbm>>) target_semaphore(%run_scoped3A_104 : memref<!tpu.dma_semaphore, #tpu.memory_space<semaphore_mem>>)
          %dma_wait3A = arith.constant 0 : i32
          %dma_wait3A_109 = tpu.memref_slice %arg5[%mul3A_96, %dma_wait3A] : memref<10000x80xf32, #tpu.memory_space<hbm>> -> memref<80x80xf32, #tpu.memory_space<hbm>>
          %dma_wait3A_110 = arith.constant 0 : i32
          %dma_wait3A_111 = tpu.memref_slice %arg11[%mul3A_96, %dma_wait3A_110] : memref<10000x80xf32, #tpu.memory_space<vmem_shared>> -> memref<80x80xf32, #tpu.memory_space<vmem_shared>>
          tpu.wait_dma2 semaphore(%run_scoped3A_104 : memref<!tpu.dma_semaphore, #tpu.memory_space<semaphore_mem>>) src(%dma_wait3A_111 : memref<80x80xf32, #tpu.memory_space<vmem_shared>>) dst(%dma_wait3A_109 : memref<80x80xf32, #tpu.memory_space<hbm>>)
          tpu.yield
        }) : () -> ()
      } else {
      }
    }
    %while3A_90 = arith.constant 1 : i32
    scf.for %while3A_91 = %while3A_88 to %while3A_84 step %while3A_90  : i32 {
      %mul3A_92 = arith.constant 8 : i32
      %mul3A_93 = arith.muli %arg1, %mul3A_92 : i32
      %add3A_94 = arith.addi %mul3A_93, %while3A_91 : i32
      %mul3A_95 = arith.constant 80 : i32
      %mul3A_96 = arith.muli %add3A_94, %mul3A_95 : i32
      %eq3A = arith.constant 0 : i32
      %eq3A_97 = arith.cmpi eq, %arg0, %eq3A : i32
      %convert_element_type3A = arith.extui %eq3A_97 : i1 to i32
      %cond3A = arith.constant 0 : i32
      %cond3A_98 = arith.cmpi ne, %convert_element_type3A, %cond3A : i32
      scf.if %cond3A_98 {
        "tpu.region"() ({
          %run_scoped3A_104 = tpu.sem_alloc : memref<!tpu.dma_semaphore, #tpu.memory_space<semaphore_mem>>
          %dma_start3A_105 = arith.constant 0 : i32
          %dma_start3A_106 = tpu.memref_slice %arg4[%mul3A_96, %dma_start3A_105] : memref<10000x80xf32, #tpu.memory_space<hbm>> -> memref<80x80xf32, #tpu.memory_space<hbm>>
          %dma_start3A_107 = arith.constant 0 : i32
          %dma_start3A_108 = tpu.memref_slice %arg11[%mul3A_96, %dma_start3A_107] : memref<10000x80xf32, #tpu.memory_space<vmem_shared>> -> memref<80x80xf32, #tpu.memory_space<vmem_shared>>
          tpu.enqueue_dma source(%dma_start3A_108 : memref<80x80xf32, #tpu.memory_space<vmem_shared>>) target(%dma_start3A_106 : memref<80x80xf32, #tpu.memory_space<hbm>>) target_semaphore(%run_scoped3A_104 : memref<!tpu.dma_semaphore, #tpu.memory_space<semaphore_mem>>)
          %dma_wait3A = arith.constant 0 : i32
          %dma_wait3A_109 = tpu.memref_slice %arg4[%mul3A_96, %dma_wait3A] : memref<10000x80xf32, #tpu.memory_space<hbm>> -> memref<80x80xf32, #tpu.memory_space<hbm>>
          %dma_wait3A_110 = arith.constant 0 : i32
          %dma_wait3A_111 = tpu.memref_slice %arg11[%mul3A_96, %dma_wait3A_110] : memref<10000x80xf32, #tpu.memory_space<vmem_shared>> -> memref<80x80xf32, #tpu.memory_space<vmem_shared>>
          tpu.wait_dma2 semaphore(%run_scoped3A_104 : memref<!tpu.dma_semaphore, #tpu.memory_space<semaphore_mem>>) src(%dma_wait3A_111 : memref<80x80xf32, #tpu.memory_space<vmem_shared>>) dst(%dma_wait3A_109 : memref<80x80xf32, #tpu.memory_space<hbm>>)
          tpu.yield
        }) : () -> ()
      } else {
      }
      %eq3A_99 = arith.constant 1 : i32
      %eq3A_100 = arith.cmpi eq, %arg0, %eq3A_99 : i32
      %convert_element_type3A_101 = arith.extui %eq3A_100 : i1 to i32
      %cond3A_102 = arith.constant 0 : i32
      %cond3A_103 = arith.cmpi ne, %convert_element_type3A_101, %cond3A_102 : i32
      scf.if %cond3A_103 {
        "tpu.region"() ({
          %run_scoped3A_104 = tpu.sem_alloc : memref<!tpu.dma_semaphore, #tpu.memory_space<semaphore_mem>>
          %dma_start3A_105 = arith.constant 0 : i32
          %dma_start3A_106 = tpu.memref_slice %arg5[%mul3A_96, %dma_start3A_105] : memref<10000x80xf32, #tpu.memory_space<hbm>> -> memref<80x80xf32, #tpu.memory_space<hbm>>
          %dma_start3A_107 = arith.constant 0 : i32
          %dma_start3A_108 = tpu.memref_slice %arg11[%mul3A_96, %dma_start3A_107] : memref<10000x80xf32, #tpu.memory_space<vmem_shared>> -> memref<80x80xf32, #tpu.memory_space<vmem_shared>>
          tpu.enqueue_dma source(%dma_start3A_108 : memref<80x80xf32, #tpu.memory_space<vmem_shared>>) target(%dma_start3A_106 : memref<80x80xf32, #tpu.memory_space<hbm>>) target_semaphore(%run_scoped3A_104 : memref<!tpu.dma_semaphore, #tpu.memory_space<semaphore_mem>>)
          %dma_wait3A = arith.constant 0 : i32
          %dma_wait3A_109 = tpu.memref_slice %arg5[%mul3A_96, %dma_wait3A] : memref<10000x80xf32, #tpu.memory_space<hbm>> -> memref<80x80xf32, #tpu.memory_space<hbm>>
          %dma_wait3A_110 = arith.constant 0 : i32
          %dma_wait3A_111 = tpu.memref_slice %arg11[%mul3A_96, %dma_wait3A_110] : memref<10000x80xf32, #tpu.memory_space<vmem_shared>> -> memref<80x80xf32, #tpu.memory_space<vmem_shared>>
          tpu.wait_dma2 semaphore(%run_scoped3A_104 : memref<!tpu.dma_semaphore, #tpu.memory_space<semaphore_mem>>) src(%dma_wait3A_111 : memref<80x80xf32, #tpu.memory_space<vmem_shared>>) dst(%dma_wait3A_109 : memref<80x80xf32, #tpu.memory_space<hbm>>)
          tpu.yield
        }) : () -> ()
      } else {
      }
    }
    return
  }
}

module attributes {stable_mosaic.version = 14 : i64} {
  func.func @_proj_body(%arg0: i32, %arg1: memref<2000x128xf32, #tpu.memory_space<vmem>>, %arg2: memref<2000x16xf32, #tpu.memory_space<vmem>>, %arg3: memref<1x128x16xf32, #tpu.memory_space<vmem>>, %arg4: memref<1x1xf32, #tpu.memory_space<vmem>>, %arg5: memref<128x16xf32, #tpu.memory_space<vmem>>, %arg6: memref<1x16x16xf32, #tpu.memory_space<vmem>>, %arg7: memref<1x1xf32, #tpu.memory_space<vmem>>, %arg8: memref<16x16xf32, #tpu.memory_space<vmem>>, %arg9: memref<1x16xf32, #tpu.memory_space<vmem>>, %arg10: memref<1x128x16xf32, #tpu.memory_space<vmem>>, %arg11: memref<1x1xf32, #tpu.memory_space<vmem>>, %arg12: memref<128x16xf32, #tpu.memory_space<vmem>>, %arg13: memref<1x16x16xf32, #tpu.memory_space<vmem>>, %arg14: memref<1x1xf32, #tpu.memory_space<vmem>>, %arg15: memref<16x16xf32, #tpu.memory_space<vmem>>, %arg16: memref<1x16xf32, #tpu.memory_space<vmem>>, %arg17: memref<1x128x16xf32, #tpu.memory_space<vmem>>, %arg18: memref<1x1xf32, #tpu.memory_space<vmem>>, %arg19: memref<128x16xf32, #tpu.memory_space<vmem>>, %arg20: memref<1x16x16xf32, #tpu.memory_space<vmem>>, %arg21: memref<1x1xf32, #tpu.memory_space<vmem>>, %arg22: memref<16x16xf32, #tpu.memory_space<vmem>>, %arg23: memref<1x16xf32, #tpu.memory_space<vmem>>, %arg24: memref<1x128x16xf32, #tpu.memory_space<vmem>>, %arg25: memref<1x1xf32, #tpu.memory_space<vmem>>, %arg26: memref<128x16xf32, #tpu.memory_space<vmem>>, %arg27: memref<1x16x16xf32, #tpu.memory_space<vmem>>, %arg28: memref<1x1xf32, #tpu.memory_space<vmem>>, %arg29: memref<16x16xf32, #tpu.memory_space<vmem>>, %arg30: memref<1x16xf32, #tpu.memory_space<vmem>>, %arg31: memref<2000x80xf32, #tpu.memory_space<vmem>>, %arg32: memref<2000x64xf32, #tpu.memory_space<vmem>>) attributes {dimension_semantics = [#tpu.dimension_semantics<arbitrary>], iteration_bounds = array<i64: 5>, scalar_prefetch = 0 : i64, scratch_operands = 0 : i64, tpu.core_type = #tpu.core_type<tc>, window_params = [{transform_indices = @transform_0, window_bounds = array<i64: 2000, 128>}, {transform_indices = @transform_1, window_bounds = array<i64: 2000, 16>}, {pipeline_mode = #tpu.pipeline_mode<synchronous>, transform_indices = @transform_2, window_bounds = array<i64: 1, 128, 16>}, {pipeline_mode = #tpu.pipeline_mode<synchronous>, transform_indices = @transform_3, window_bounds = array<i64: 1, 1>}, {pipeline_mode = #tpu.pipeline_mode<synchronous>, transform_indices = @transform_4, window_bounds = array<i64: 128, 16>}, {pipeline_mode = #tpu.pipeline_mode<synchronous>, transform_indices = @transform_5, window_bounds = array<i64: 1, 16, 16>}, {pipeline_mode = #tpu.pipeline_mode<synchronous>, transform_indices = @transform_6, window_bounds = array<i64: 1, 1>}, {pipeline_mode = #tpu.pipeline_mode<synchronous>, transform_indices = @transform_7, window_bounds = array<i64: 16, 16>}, {pipeline_mode = #tpu.pipeline_mode<synchronous>, transform_indices = @transform_8, window_bounds = array<i64: 1, 16>}, {pipeline_mode = #tpu.pipeline_mode<synchronous>, transform_indices = @transform_9, window_bounds = array<i64: 1, 128, 16>}, {pipeline_mode = #tpu.pipeline_mode<synchronous>, transform_indices = @transform_10, window_bounds = array<i64: 1, 1>}, {pipeline_mode = #tpu.pipeline_mode<synchronous>, transform_indices = @transform_11, window_bounds = array<i64: 128, 16>}, {pipeline_mode = #tpu.pipeline_mode<synchronous>, transform_indices = @transform_12, window_bounds = array<i64: 1, 16, 16>}, {pipeline_mode = #tpu.pipeline_mode<synchronous>, transform_indices = @transform_13, window_bounds = array<i64: 1, 1>}, {pipeline_mode = #tpu.pipeline_mode<synchronous>, transform_indices = @transform_14, window_bounds = array<i64: 16, 16>}, {pipeline_mode = #tpu.pipeline_mode<synchronous>, transform_indices = @transform_15, window_bounds = array<i64: 1, 16>}, {pipeline_mode = #tpu.pipeline_mode<synchronous>, transform_indices = @transform_16, window_bounds = array<i64: 1, 128, 16>}, {pipeline_mode = #tpu.pipeline_mode<synchronous>, transform_indices = @transform_17, window_bounds = array<i64: 1, 1>}, {pipeline_mode = #tpu.pipeline_mode<synchronous>, transform_indices = @transform_18, window_bounds = array<i64: 128, 16>}, {pipeline_mode = #tpu.pipeline_mode<synchronous>, transform_indices = @transform_19, window_bounds = array<i64: 1, 16, 16>}, {pipeline_mode = #tpu.pipeline_mode<synchronous>, transform_indices = @transform_20, window_bounds = array<i64: 1, 1>}, {pipeline_mode = #tpu.pipeline_mode<synchronous>, transform_indices = @transform_21, window_bounds = array<i64: 16, 16>}, {pipeline_mode = #tpu.pipeline_mode<synchronous>, transform_indices = @transform_22, window_bounds = array<i64: 1, 16>}, {pipeline_mode = #tpu.pipeline_mode<synchronous>, transform_indices = @transform_23, window_bounds = array<i64: 1, 128, 16>}, {pipeline_mode = #tpu.pipeline_mode<synchronous>, transform_indices = @transform_24, window_bounds = array<i64: 1, 1>}, {pipeline_mode = #tpu.pipeline_mode<synchronous>, transform_indices = @transform_25, window_bounds = array<i64: 128, 16>}, {pipeline_mode = #tpu.pipeline_mode<synchronous>, transform_indices = @transform_26, window_bounds = array<i64: 1, 16, 16>}, {pipeline_mode = #tpu.pipeline_mode<synchronous>, transform_indices = @transform_27, window_bounds = array<i64: 1, 1>}, {pipeline_mode = #tpu.pipeline_mode<synchronous>, transform_indices = @transform_28, window_bounds = array<i64: 16, 16>}, {pipeline_mode = #tpu.pipeline_mode<synchronous>, transform_indices = @transform_29, window_bounds = array<i64: 1, 16>}, {transform_indices = @transform_30, window_bounds = array<i64: 2000, 80>}, {transform_indices = @transform_31, window_bounds = array<i64: 2000, 64>}]} {
    %get3A = arith.constant 0 : index
    %get3A_0 = arith.constant 0 : index
    %get3A_1 = vector.load %arg1[%get3A, %get3A_0] : memref<2000x128xf32, #tpu.memory_space<vmem>>, vector<2000x128xf32>
    %get3A_2 = arith.constant 0 : index
    %get3A_3 = arith.constant 0 : index
    %get3A_4 = vector.load %arg2[%get3A_2, %get3A_3] : memref<2000x16xf32, #tpu.memory_space<vmem>>, vector<2000x16xf32>
    %get3A_5 = arith.constant 0 : index
    %get3A_6 = arith.constant 0 : index
    %get3A_7 = arith.constant 0 : index
    %get3A_8 = vector.load %arg3[%get3A_5, %get3A_6, %get3A_7] : memref<1x128x16xf32, #tpu.memory_space<vmem>>, vector<1x128x16xf32>
    %get3A_9 = vector.shape_cast %get3A_8 : vector<1x128x16xf32> to vector<128x16xf32>
    %get3A_10 = arith.constant 0 : index
    %get3A_11 = arith.constant 0 : index
    %get3A_12 = vector.load %arg4[%get3A_10, %get3A_11] : memref<1x1xf32, #tpu.memory_space<vmem>>, vector<1x1xf32>
    %get3A_13 = vector.extract %get3A_12[0, 0] : f32 from vector<1x1xf32>
    %mul3A = vector.broadcast %get3A_13 : f32 to vector<128x16xf32>
    %mul3A_14 = arith.mulf %get3A_9, %mul3A : vector<128x16xf32>
    %get3A_15 = arith.constant 0 : index
    %get3A_16 = arith.constant 0 : index
    %get3A_17 = arith.constant 0 : index
    %get3A_18 = vector.load %arg10[%get3A_15, %get3A_16, %get3A_17] : memref<1x128x16xf32, #tpu.memory_space<vmem>>, vector<1x128x16xf32>
    %get3A_19 = vector.shape_cast %get3A_18 : vector<1x128x16xf32> to vector<128x16xf32>
    %get3A_20 = arith.constant 0 : index
    %get3A_21 = arith.constant 0 : index
    %get3A_22 = vector.load %arg11[%get3A_20, %get3A_21] : memref<1x1xf32, #tpu.memory_space<vmem>>, vector<1x1xf32>
    %get3A_23 = vector.extract %get3A_22[0, 0] : f32 from vector<1x1xf32>
    %mul3A_24 = vector.broadcast %get3A_23 : f32 to vector<128x16xf32>
    %mul3A_25 = arith.mulf %get3A_19, %mul3A_24 : vector<128x16xf32>
    %get3A_26 = arith.constant 0 : index
    %get3A_27 = arith.constant 0 : index
    %get3A_28 = arith.constant 0 : index
    %get3A_29 = vector.load %arg17[%get3A_26, %get3A_27, %get3A_28] : memref<1x128x16xf32, #tpu.memory_space<vmem>>, vector<1x128x16xf32>
    %get3A_30 = vector.shape_cast %get3A_29 : vector<1x128x16xf32> to vector<128x16xf32>
    %get3A_31 = arith.constant 0 : index
    %get3A_32 = arith.constant 0 : index
    %get3A_33 = vector.load %arg18[%get3A_31, %get3A_32] : memref<1x1xf32, #tpu.memory_space<vmem>>, vector<1x1xf32>
    %get3A_34 = vector.extract %get3A_33[0, 0] : f32 from vector<1x1xf32>
    %mul3A_35 = vector.broadcast %get3A_34 : f32 to vector<128x16xf32>
    %mul3A_36 = arith.mulf %get3A_30, %mul3A_35 : vector<128x16xf32>
    %get3A_37 = arith.constant 0 : index
    %get3A_38 = arith.constant 0 : index
    %get3A_39 = arith.constant 0 : index
    %get3A_40 = vector.load %arg24[%get3A_37, %get3A_38, %get3A_39] : memref<1x128x16xf32, #tpu.memory_space<vmem>>, vector<1x128x16xf32>
    %get3A_41 = vector.shape_cast %get3A_40 : vector<1x128x16xf32> to vector<128x16xf32>
    %get3A_42 = arith.constant 0 : index
    %get3A_43 = arith.constant 0 : index
    %get3A_44 = vector.load %arg25[%get3A_42, %get3A_43] : memref<1x1xf32, #tpu.memory_space<vmem>>, vector<1x1xf32>
    %get3A_45 = vector.extract %get3A_44[0, 0] : f32 from vector<1x1xf32>
    %mul3A_46 = vector.broadcast %get3A_45 : f32 to vector<128x16xf32>
    %mul3A_47 = arith.mulf %get3A_41, %mul3A_46 : vector<128x16xf32>
    %concatenate3A = tpu.concatenate %mul3A_14, %mul3A_25, %mul3A_36, %mul3A_47 in 1 : vector<128x16xf32>, vector<128x16xf32>, vector<128x16xf32>, vector<128x16xf32> -> vector<128x64xf32>
    %get3A_48 = arith.constant 0 : index
    %get3A_49 = arith.constant 0 : index
    %get3A_50 = arith.constant 0 : index
    %get3A_51 = vector.load %arg6[%get3A_48, %get3A_49, %get3A_50] : memref<1x16x16xf32, #tpu.memory_space<vmem>>, vector<1x16x16xf32>
    %get3A_52 = vector.shape_cast %get3A_51 : vector<1x16x16xf32> to vector<16x16xf32>
    %get3A_53 = arith.constant 0 : index
    %get3A_54 = arith.constant 0 : index
    %get3A_55 = vector.load %arg7[%get3A_53, %get3A_54] : memref<1x1xf32, #tpu.memory_space<vmem>>, vector<1x1xf32>
    %get3A_56 = vector.extract %get3A_55[0, 0] : f32 from vector<1x1xf32>
    %mul3A_57 = vector.broadcast %get3A_56 : f32 to vector<16x16xf32>
    %mul3A_58 = arith.mulf %get3A_52, %mul3A_57 : vector<16x16xf32>
    %get3A_59 = arith.constant 0 : index
    %get3A_60 = arith.constant 0 : index
    %get3A_61 = arith.constant 0 : index
    %get3A_62 = vector.load %arg13[%get3A_59, %get3A_60, %get3A_61] : memref<1x16x16xf32, #tpu.memory_space<vmem>>, vector<1x16x16xf32>
    %get3A_63 = vector.shape_cast %get3A_62 : vector<1x16x16xf32> to vector<16x16xf32>
    %get3A_64 = arith.constant 0 : index
    %get3A_65 = arith.constant 0 : index
    %get3A_66 = vector.load %arg14[%get3A_64, %get3A_65] : memref<1x1xf32, #tpu.memory_space<vmem>>, vector<1x1xf32>
    %get3A_67 = vector.extract %get3A_66[0, 0] : f32 from vector<1x1xf32>
    %mul3A_68 = vector.broadcast %get3A_67 : f32 to vector<16x16xf32>
    %mul3A_69 = arith.mulf %get3A_63, %mul3A_68 : vector<16x16xf32>
    %get3A_70 = arith.constant 0 : index
    %get3A_71 = arith.constant 0 : index
    %get3A_72 = arith.constant 0 : index
    %get3A_73 = vector.load %arg20[%get3A_70, %get3A_71, %get3A_72] : memref<1x16x16xf32, #tpu.memory_space<vmem>>, vector<1x16x16xf32>
    %get3A_74 = vector.shape_cast %get3A_73 : vector<1x16x16xf32> to vector<16x16xf32>
    %get3A_75 = arith.constant 0 : index
    %get3A_76 = arith.constant 0 : index
    %get3A_77 = vector.load %arg21[%get3A_75, %get3A_76] : memref<1x1xf32, #tpu.memory_space<vmem>>, vector<1x1xf32>
    %get3A_78 = vector.extract %get3A_77[0, 0] : f32 from vector<1x1xf32>
    %mul3A_79 = vector.broadcast %get3A_78 : f32 to vector<16x16xf32>
    %mul3A_80 = arith.mulf %get3A_74, %mul3A_79 : vector<16x16xf32>
    %get3A_81 = arith.constant 0 : index
    %get3A_82 = arith.constant 0 : index
    %get3A_83 = arith.constant 0 : index
    %get3A_84 = vector.load %arg27[%get3A_81, %get3A_82, %get3A_83] : memref<1x16x16xf32, #tpu.memory_space<vmem>>, vector<1x16x16xf32>
    %get3A_85 = vector.shape_cast %get3A_84 : vector<1x16x16xf32> to vector<16x16xf32>
    %get3A_86 = arith.constant 0 : index
    %get3A_87 = arith.constant 0 : index
    %get3A_88 = vector.load %arg28[%get3A_86, %get3A_87] : memref<1x1xf32, #tpu.memory_space<vmem>>, vector<1x1xf32>
    %get3A_89 = vector.extract %get3A_88[0, 0] : f32 from vector<1x1xf32>
    %mul3A_90 = vector.broadcast %get3A_89 : f32 to vector<16x16xf32>
    %mul3A_91 = arith.mulf %get3A_85, %mul3A_90 : vector<16x16xf32>
    %concatenate3A_92 = tpu.concatenate %mul3A_58, %mul3A_69, %mul3A_80, %mul3A_91 in 1 : vector<16x16xf32>, vector<16x16xf32>, vector<16x16xf32>, vector<16x16xf32> -> vector<16x64xf32>
    %dot_general3A = arith.constant dense<0.000000e+00> : vector<2000x64xf32>
    %dot_general3A_93 = tpu.matmul %get3A_1, %concatenate3A, %dot_general3A {dimension_numbers = #tpu.dot_dimension_numbers<[1], [0], [0], [1], [0, 0, 1, 1], [], []>, transpose_lhs_hint = false} : vector<2000x128xf32>, vector<128x64xf32>, vector<2000x64xf32> -> vector<2000x64xf32>
    %dot_general3A_94 = arith.constant dense<0.000000e+00> : vector<2000x64xf32>
    %dot_general3A_95 = tpu.matmul %get3A_4, %concatenate3A_92, %dot_general3A_94 {dimension_numbers = #tpu.dot_dimension_numbers<[1], [0], [0], [1], [0, 0, 1, 1], [], []>, transpose_lhs_hint = false} : vector<2000x16xf32>, vector<16x64xf32>, vector<2000x64xf32> -> vector<2000x64xf32>
    %add3A = arith.addf %dot_general3A_93, %dot_general3A_95 : vector<2000x64xf32>
    %broadcast_in_dim3A = arith.constant 1.000000e+00 : f32
    %broadcast_in_dim3A_96 = vector.broadcast %broadcast_in_dim3A : f32 to vector<2000x1xf32>
    %broadcast_in_dim3A_97 = arith.constant 0.000000e+00 : f32
    %broadcast_in_dim3A_98 = vector.broadcast %broadcast_in_dim3A_97 : f32 to vector<2000x15xf32>
    %concatenate3A_99 = tpu.concatenate %add3A, %broadcast_in_dim3A_96, %broadcast_in_dim3A_98 in 1 : vector<2000x64xf32>, vector<2000x1xf32>, vector<2000x15xf32> -> vector<2000x80xf32>
    %swap3A = arith.constant 0 : index
    %swap3A_100 = arith.constant 0 : index
    %swap3A_101 = vector.load %arg31[%swap3A, %swap3A_100] : memref<2000x80xf32, #tpu.memory_space<vmem>>, vector<2000x80xf32>
    tpu.vector_store %arg31[%swap3A, %swap3A_100], %concatenate3A_99 {strides = array<i32>} : memref<2000x80xf32, #tpu.memory_space<vmem>>, vector<2000x80xf32>,
    %get3A_102 = arith.constant 0 : index
    %get3A_103 = arith.constant 0 : index
    %get3A_104 = vector.load %arg5[%get3A_102, %get3A_103] : memref<128x16xf32, #tpu.memory_space<vmem>>, vector<128x16xf32>
    %get3A_105 = arith.constant 0 : index
    %get3A_106 = arith.constant 0 : index
    %get3A_107 = vector.load %arg12[%get3A_105, %get3A_106] : memref<128x16xf32, #tpu.memory_space<vmem>>, vector<128x16xf32>
    %get3A_108 = arith.constant 0 : index
    %get3A_109 = arith.constant 0 : index
    %get3A_110 = vector.load %arg19[%get3A_108, %get3A_109] : memref<128x16xf32, #tpu.memory_space<vmem>>, vector<128x16xf32>
    %get3A_111 = arith.constant 0 : index
    %get3A_112 = arith.constant 0 : index
    %get3A_113 = vector.load %arg26[%get3A_111, %get3A_112] : memref<128x16xf32, #tpu.memory_space<vmem>>, vector<128x16xf32>
    %concatenate3A_114 = tpu.concatenate %get3A_104, %get3A_107, %get3A_110, %get3A_113 in 1 : vector<128x16xf32>, vector<128x16xf32>, vector<128x16xf32>, vector<128x16xf32> -> vector<128x64xf32>
    %get3A_115 = arith.constant 0 : index
    %get3A_116 = arith.constant 0 : index
    %get3A_117 = vector.load %arg8[%get3A_115, %get3A_116] : memref<16x16xf32, #tpu.memory_space<vmem>>, vector<16x16xf32>
    %get3A_118 = arith.constant 0 : index
    %get3A_119 = arith.constant 0 : index
    %get3A_120 = vector.load %arg15[%get3A_118, %get3A_119] : memref<16x16xf32, #tpu.memory_space<vmem>>, vector<16x16xf32>
    %get3A_121 = arith.constant 0 : index
    %get3A_122 = arith.constant 0 : index
    %get3A_123 = vector.load %arg22[%get3A_121, %get3A_122] : memref<16x16xf32, #tpu.memory_space<vmem>>, vector<16x16xf32>
    %get3A_124 = arith.constant 0 : index
    %get3A_125 = arith.constant 0 : index
    %get3A_126 = vector.load %arg29[%get3A_124, %get3A_125] : memref<16x16xf32, #tpu.memory_space<vmem>>, vector<16x16xf32>
    %concatenate3A_127 = tpu.concatenate %get3A_117, %get3A_120, %get3A_123, %get3A_126 in 1 : vector<16x16xf32>, vector<16x16xf32>, vector<16x16xf32>, vector<16x16xf32> -> vector<16x64xf32>
    %dot_general3A_128 = arith.constant dense<0.000000e+00> : vector<2000x64xf32>
    %dot_general3A_129 = tpu.matmul %get3A_1, %concatenate3A_114, %dot_general3A_128 {dimension_numbers = #tpu.dot_dimension_numbers<[1], [0], [0], [1], [0, 0, 1, 1], [], []>, transpose_lhs_hint = false} : vector<2000x128xf32>, vector<128x64xf32>, vector<2000x64xf32> -> vector<2000x64xf32>
    %dot_general3A_130 = arith.constant dense<0.000000e+00> : vector<2000x64xf32>
    %dot_general3A_131 = tpu.matmul %get3A_4, %concatenate3A_127, %dot_general3A_130 {dimension_numbers = #tpu.dot_dimension_numbers<[1], [0], [0], [1], [0, 0, 1, 1], [], []>, transpose_lhs_hint = false} : vector<2000x16xf32>, vector<16x64xf32>, vector<2000x64xf32> -> vector<2000x64xf32>
    %add3A_132 = arith.addf %dot_general3A_129, %dot_general3A_131 : vector<2000x64xf32>
    %get3A_133 = arith.constant 0 : index
    %get3A_134 = arith.constant 0 : index
    %get3A_135 = vector.load %arg9[%get3A_133, %get3A_134] : memref<1x16xf32, #tpu.memory_space<vmem>>, vector<1x16xf32>
    %get3A_136 = arith.constant 0 : index
    %get3A_137 = arith.constant 0 : index
    %get3A_138 = vector.load %arg16[%get3A_136, %get3A_137] : memref<1x16xf32, #tpu.memory_space<vmem>>, vector<1x16xf32>
    %get3A_139 = arith.constant 0 : index
    %get3A_140 = arith.constant 0 : index
    %get3A_141 = vector.load %arg23[%get3A_139, %get3A_140] : memref<1x16xf32, #tpu.memory_space<vmem>>, vector<1x16xf32>
    %get3A_142 = arith.constant 0 : index
    %get3A_143 = arith.constant 0 : index
    %get3A_144 = vector.load %arg30[%get3A_142, %get3A_143] : memref<1x16xf32, #tpu.memory_space<vmem>>, vector<1x16xf32>
    %concatenate3A_145 = tpu.concatenate %get3A_135, %get3A_138, %get3A_141, %get3A_144 in 1 : vector<1x16xf32>, vector<1x16xf32>, vector<1x16xf32>, vector<1x16xf32> -> vector<1x64xf32>
    %add3A_146 = vector.broadcast %concatenate3A_145 : vector<1x64xf32> to vector<2000x64xf32>
    %add3A_147 = arith.addf %add3A_132, %add3A_146 : vector<2000x64xf32>
    %swap3A_148 = arith.constant 0 : index
    %swap3A_149 = arith.constant 0 : index
    %swap3A_150 = vector.load %arg32[%swap3A_148, %swap3A_149] : memref<2000x64xf32, #tpu.memory_space<vmem>>, vector<2000x64xf32>
    tpu.vector_store %arg32[%swap3A_148, %swap3A_149], %add3A_147 {strides = array<i32>} : memref<2000x64xf32, #tpu.memory_space<vmem>>, vector<2000x64xf32>,
    return
  }
  func.func @transform_0(%arg0: i32) -> (i32, i32) {
    %c0_i32 = arith.constant 0 : i32
    %c0_i32_0 = arith.constant 0 : i32
    return %arg0, %c0_i32 : i32, i32
  }
  func.func @transform_1(%arg0: i32) -> (i32, i32) {
    %c0_i32 = arith.constant 0 : i32
    %c0_i32_0 = arith.constant 0 : i32
    return %arg0, %c0_i32 : i32, i32
  }
  func.func @transform_2(%arg0: i32) -> (i32, i32, i32) {
    %c0_i32 = arith.constant 0 : i32
    %c0_i32_0 = arith.constant 0 : i32
    %c0_i32_1 = arith.constant 0 : i32
    %c0_i32_2 = arith.constant 0 : i32
    return %c0_i32, %c0_i32_0, %c0_i32_1 : i32, i32, i32
  }
  func.func @transform_3(%arg0: i32) -> (i32, i32) {
    %c0_i32 = arith.constant 0 : i32
    %c0_i32_0 = arith.constant 0 : i32
    %c0_i32_1 = arith.constant 0 : i32
    return %c0_i32, %c0_i32_0 : i32, i32
  }
  func.func @transform_4(%arg0: i32) -> (i32, i32) {
    %c0_i32 = arith.constant 0 : i32
    %c0_i32_0 = arith.constant 0 : i32
    %c0_i32_1 = arith.constant 0 : i32
    return %c0_i32, %c0_i32_0 : i32, i32
  }
  func.func @transform_5(%arg0: i32) -> (i32, i32, i32) {
    %c0_i32 = arith.constant 0 : i32
    %c0_i32_0 = arith.constant 0 : i32
    %c0_i32_1 = arith.constant 0 : i32
    %c0_i32_2 = arith.constant 0 : i32
    return %c0_i32, %c0_i32_0, %c0_i32_1 : i32, i32, i32
  }
  func.func @transform_6(%arg0: i32) -> (i32, i32) {
    %c0_i32 = arith.constant 0 : i32
    %c0_i32_0 = arith.constant 0 : i32
    %c0_i32_1 = arith.constant 0 : i32
    return %c0_i32, %c0_i32_0 : i32, i32
  }
  func.func @transform_7(%arg0: i32) -> (i32, i32) {
    %c0_i32 = arith.constant 0 : i32
    %c0_i32_0 = arith.constant 0 : i32
    %c0_i32_1 = arith.constant 0 : i32
    return %c0_i32, %c0_i32_0 : i32, i32
  }
  func.func @transform_8(%arg0: i32) -> (i32, i32) {
    %c0_i32 = arith.constant 0 : i32
    %c0_i32_0 = arith.constant 0 : i32
    %c0_i32_1 = arith.constant 0 : i32
    return %c0_i32, %c0_i32_0 : i32, i32
  }
  func.func @transform_9(%arg0: i32) -> (i32, i32, i32) {
    %c0_i32 = arith.constant 0 : i32
    %c0_i32_0 = arith.constant 0 : i32
    %c0_i32_1 = arith.constant 0 : i32
    %c0_i32_2 = arith.constant 0 : i32
    return %c0_i32, %c0_i32_0, %c0_i32_1 : i32, i32, i32
  }
  func.func @transform_10(%arg0: i32) -> (i32, i32) {
    %c0_i32 = arith.constant 0 : i32
    %c0_i32_0 = arith.constant 0 : i32
    %c0_i32_1 = arith.constant 0 : i32
    return %c0_i32, %c0_i32_0 : i32, i32
  }
  func.func @transform_11(%arg0: i32) -> (i32, i32) {
    %c0_i32 = arith.constant 0 : i32
    %c0_i32_0 = arith.constant 0 : i32
    %c0_i32_1 = arith.constant 0 : i32
    return %c0_i32, %c0_i32_0 : i32, i32
  }
  func.func @transform_12(%arg0: i32) -> (i32, i32, i32) {
    %c0_i32 = arith.constant 0 : i32
    %c0_i32_0 = arith.constant 0 : i32
    %c0_i32_1 = arith.constant 0 : i32
    %c0_i32_2 = arith.constant 0 : i32
    return %c0_i32, %c0_i32_0, %c0_i32_1 : i32, i32, i32
  }
  func.func @transform_13(%arg0: i32) -> (i32, i32) {
    %c0_i32 = arith.constant 0 : i32
    %c0_i32_0 = arith.constant 0 : i32
    %c0_i32_1 = arith.constant 0 : i32
    return %c0_i32, %c0_i32_0 : i32, i32
  }
  func.func @transform_14(%arg0: i32) -> (i32, i32) {
    %c0_i32 = arith.constant 0 : i32
    %c0_i32_0 = arith.constant 0 : i32
    %c0_i32_1 = arith.constant 0 : i32
    return %c0_i32, %c0_i32_0 : i32, i32
  }
  func.func @transform_15(%arg0: i32) -> (i32, i32) {
    %c0_i32 = arith.constant 0 : i32
    %c0_i32_0 = arith.constant 0 : i32
    %c0_i32_1 = arith.constant 0 : i32
    return %c0_i32, %c0_i32_0 : i32, i32
  }
  func.func @transform_16(%arg0: i32) -> (i32, i32, i32) {
    %c0_i32 = arith.constant 0 : i32
    %c0_i32_0 = arith.constant 0 : i32
    %c0_i32_1 = arith.constant 0 : i32
    %c0_i32_2 = arith.constant 0 : i32
    return %c0_i32, %c0_i32_0, %c0_i32_1 : i32, i32, i32
  }
  func.func @transform_17(%arg0: i32) -> (i32, i32) {
    %c0_i32 = arith.constant 0 : i32
    %c0_i32_0 = arith.constant 0 : i32
    %c0_i32_1 = arith.constant 0 : i32
    return %c0_i32, %c0_i32_0 : i32, i32
  }
  func.func @transform_18(%arg0: i32) -> (i32, i32) {
    %c0_i32 = arith.constant 0 : i32
    %c0_i32_0 = arith.constant 0 : i32
    %c0_i32_1 = arith.constant 0 : i32
    return %c0_i32, %c0_i32_0 : i32, i32
  }
  func.func @transform_19(%arg0: i32) -> (i32, i32, i32) {
    %c0_i32 = arith.constant 0 : i32
    %c0_i32_0 = arith.constant 0 : i32
    %c0_i32_1 = arith.constant 0 : i32
    %c0_i32_2 = arith.constant 0 : i32
    return %c0_i32, %c0_i32_0, %c0_i32_1 : i32, i32, i32
  }
  func.func @transform_20(%arg0: i32) -> (i32, i32) {
    %c0_i32 = arith.constant 0 : i32
    %c0_i32_0 = arith.constant 0 : i32
    %c0_i32_1 = arith.constant 0 : i32
    return %c0_i32, %c0_i32_0 : i32, i32
  }
  func.func @transform_21(%arg0: i32) -> (i32, i32) {
    %c0_i32 = arith.constant 0 : i32
    %c0_i32_0 = arith.constant 0 : i32
    %c0_i32_1 = arith.constant 0 : i32
    return %c0_i32, %c0_i32_0 : i32, i32
  }
  func.func @transform_22(%arg0: i32) -> (i32, i32) {
    %c0_i32 = arith.constant 0 : i32
    %c0_i32_0 = arith.constant 0 : i32
    %c0_i32_1 = arith.constant 0 : i32
    return %c0_i32, %c0_i32_0 : i32, i32
  }
  func.func @transform_23(%arg0: i32) -> (i32, i32, i32) {
    %c0_i32 = arith.constant 0 : i32
    %c0_i32_0 = arith.constant 0 : i32
    %c0_i32_1 = arith.constant 0 : i32
    %c0_i32_2 = arith.constant 0 : i32
    return %c0_i32, %c0_i32_0, %c0_i32_1 : i32, i32, i32
  }
  func.func @transform_24(%arg0: i32) -> (i32, i32) {
    %c0_i32 = arith.constant 0 : i32
    %c0_i32_0 = arith.constant 0 : i32
    %c0_i32_1 = arith.constant 0 : i32
    return %c0_i32, %c0_i32_0 : i32, i32
  }
  func.func @transform_25(%arg0: i32) -> (i32, i32) {
    %c0_i32 = arith.constant 0 : i32
    %c0_i32_0 = arith.constant 0 : i32
    %c0_i32_1 = arith.constant 0 : i32
    return %c0_i32, %c0_i32_0 : i32, i32
  }
  func.func @transform_26(%arg0: i32) -> (i32, i32, i32) {
    %c0_i32 = arith.constant 0 : i32
    %c0_i32_0 = arith.constant 0 : i32
    %c0_i32_1 = arith.constant 0 : i32
    %c0_i32_2 = arith.constant 0 : i32
    return %c0_i32, %c0_i32_0, %c0_i32_1 : i32, i32, i32
  }
  func.func @transform_27(%arg0: i32) -> (i32, i32) {
    %c0_i32 = arith.constant 0 : i32
    %c0_i32_0 = arith.constant 0 : i32
    %c0_i32_1 = arith.constant 0 : i32
    return %c0_i32, %c0_i32_0 : i32, i32
  }
  func.func @transform_28(%arg0: i32) -> (i32, i32) {
    %c0_i32 = arith.constant 0 : i32
    %c0_i32_0 = arith.constant 0 : i32
    %c0_i32_1 = arith.constant 0 : i32
    return %c0_i32, %c0_i32_0 : i32, i32
  }
  func.func @transform_29(%arg0: i32) -> (i32, i32) {
    %c0_i32 = arith.constant 0 : i32
    %c0_i32_0 = arith.constant 0 : i32
    %c0_i32_1 = arith.constant 0 : i32
    return %c0_i32, %c0_i32_0 : i32, i32
  }
  func.func @transform_30(%arg0: i32) -> (i32, i32) {
    %c0_i32 = arith.constant 0 : i32
    %c0_i32_0 = arith.constant 0 : i32
    return %arg0, %c0_i32 : i32, i32
  }
  func.func @transform_31(%arg0: i32) -> (i32, i32) {
    %c0_i32 = arith.constant 0 : i32
    %c0_i32_0 = arith.constant 0 : i32
    return %arg0, %c0_i32 : i32, i32
  }
}

module attributes {stable_mosaic.version = 14 : i64} {
  func.func @_cell_body(%arg0: i32, %arg1: memref<2000x80xf32, #tpu.memory_space<vmem>>, %arg2: memref<2000x80xf32, #tpu.memory_space<vmem>>, %arg3: memref<2000x64xf32, #tpu.memory_space<vmem>>, %arg4: memref<2000x16xf32, #tpu.memory_space<vmem>>, %arg5: memref<16x1xf32, #tpu.memory_space<vmem>>, %arg6: memref<1x1xf32, #tpu.memory_space<vmem>>, %arg7: memref<2000x1xf32, #tpu.memory_space<vmem>>, %arg8: memref<2000x16xf32, #tpu.memory_space<vmem>>, %arg9: memref<2000x16xf32, #tpu.memory_space<vmem>>) attributes {dimension_semantics = [#tpu.dimension_semantics<arbitrary>], iteration_bounds = array<i64: 5>, scalar_prefetch = 0 : i64, scratch_operands = 0 : i64, tpu.core_type = #tpu.core_type<tc>, window_params = [{transform_indices = @transform_0, window_bounds = array<i64: 2000, 80>}, {transform_indices = @transform_1, window_bounds = array<i64: 2000, 80>}, {transform_indices = @transform_2, window_bounds = array<i64: 2000, 64>}, {transform_indices = @transform_3, window_bounds = array<i64: 2000, 16>}, {pipeline_mode = #tpu.pipeline_mode<synchronous>, transform_indices = @transform_4, window_bounds = array<i64: 16, 1>}, {pipeline_mode = #tpu.pipeline_mode<synchronous>, transform_indices = @transform_5, window_bounds = array<i64: 1, 1>}, {transform_indices = @transform_6, window_bounds = array<i64: 2000, 1>}, {transform_indices = @transform_7, window_bounds = array<i64: 2000, 16>}, {transform_indices = @transform_8, window_bounds = array<i64: 2000, 16>}]} {
    %get3A = arith.constant 0 : index
    %get3A_0 = arith.constant 0 : index
    %get3A_1 = vector.load %arg1[%get3A, %get3A_0] : memref<2000x80xf32, #tpu.memory_space<vmem>>, vector<2000x80xf32>
    %get3A_2 = arith.constant 0 : index
    %get3A_3 = arith.constant 0 : index
    %get3A_4 = vector.load %arg2[%get3A_2, %get3A_3] : memref<2000x80xf32, #tpu.memory_space<vmem>>, vector<2000x80xf32>
    %add3A = arith.addf %get3A_1, %get3A_4 : vector<2000x80xf32>
    %slice3A = vector.extract_strided_slice %add3A {offsets = [0, 64], sizes = [2000, 1], strides = [1, 1]} : vector<2000x80xf32> to vector<2000x1xf32>
    %max3A = arith.constant 1.000000e+00 : f32
    %max3A_5 = vector.broadcast %max3A : f32 to vector<2000x1xf32>
    %max3A_6 = arith.maximumf %slice3A, %max3A_5 : vector<2000x1xf32>
    %slice3A_7 = vector.extract_strided_slice %add3A {offsets = [0, 0], sizes = [2000, 64], strides = [1, 1]} : vector<2000x80xf32> to vector<2000x64xf32>
    %div3A = vector.broadcast %max3A_6 : vector<2000x1xf32> to vector<2000x64xf32>
    %div3A_8 = arith.divf %slice3A_7, %div3A : vector<2000x64xf32>
    %get3A_9 = arith.constant 0 : index
    %get3A_10 = arith.constant 0 : index
    %get3A_11 = vector.load %arg3[%get3A_9, %get3A_10] : memref<2000x64xf32, #tpu.memory_space<vmem>>, vector<2000x64xf32>
    %add3A_12 = arith.addf %div3A_8, %get3A_11 : vector<2000x64xf32>
    %logistic3A = arith.negf %add3A_12 : vector<2000x64xf32>
    %logistic3A_13 = math.exp %logistic3A : vector<2000x64xf32>
    %logistic3A_14 = arith.constant 1.000000e+00 : f32
    %logistic3A_15 = vector.broadcast %logistic3A_14 : f32 to vector<2000x64xf32>
    %logistic3A_16 = arith.addf %logistic3A_15, %logistic3A_13 : vector<2000x64xf32>
    %logistic3A_17 = arith.divf %logistic3A_15, %logistic3A_16 : vector<2000x64xf32>
    %slice3A_18 = vector.extract_strided_slice %logistic3A_17 {offsets = [0, 0], sizes = [2000, 16], strides = [1, 1]} : vector<2000x64xf32> to vector<2000x16xf32>
    %slice3A_19 = vector.extract_strided_slice %logistic3A_17 {offsets = [0, 16], sizes = [2000, 16], strides = [1, 1]} : vector<2000x64xf32> to vector<2000x16xf32>
    %slice3A_20 = vector.extract_strided_slice %add3A_12 {offsets = [0, 32], sizes = [2000, 16], strides = [1, 1]} : vector<2000x64xf32> to vector<2000x16xf32>
    %tanh3A = math.tanh %slice3A_20 : vector<2000x16xf32>
    %slice3A_21 = vector.extract_strided_slice %logistic3A_17 {offsets = [0, 48], sizes = [2000, 16], strides = [1, 1]} : vector<2000x64xf32> to vector<2000x16xf32>
    %get3A_22 = arith.constant 0 : index
    %get3A_23 = arith.constant 0 : index
    %get3A_24 = vector.load %arg4[%get3A_22, %get3A_23] : memref<2000x16xf32, #tpu.memory_space<vmem>>, vector<2000x16xf32>
    %mul3A = arith.mulf %slice3A_19, %get3A_24 : vector<2000x16xf32>
    %mul3A_25 = arith.mulf %slice3A_18, %tanh3A : vector<2000x16xf32>
    %add3A_26 = arith.addf %mul3A, %mul3A_25 : vector<2000x16xf32>
    %tanh3A_27 = math.tanh %add3A_26 : vector<2000x16xf32>
    %mul3A_28 = arith.mulf %slice3A_21, %tanh3A_27 : vector<2000x16xf32>
    %max3A_29 = arith.constant 0.000000e+00 : f32
    %max3A_30 = vector.broadcast %max3A_29 : f32 to vector<2000x16xf32>
    %max3A_31 = arith.maximumf %mul3A_28, %max3A_30 : vector<2000x16xf32>
    %get3A_32 = arith.constant 0 : index
    %get3A_33 = arith.constant 0 : index
    %get3A_34 = vector.load %arg5[%get3A_32, %get3A_33] : memref<16x1xf32, #tpu.memory_space<vmem>>, vector<16x1xf32>
    %dot_general3A = arith.constant dense<0.000000e+00> : vector<2000x1xf32>
    %dot_general3A_35 = tpu.matmul %max3A_31, %get3A_34, %dot_general3A {dimension_numbers = #tpu.dot_dimension_numbers<[1], [0], [0], [1], [0, 0, 1, 1], [], []>, transpose_lhs_hint = false} : vector<2000x16xf32>, vector<16x1xf32>, vector<2000x1xf32> -> vector<2000x1xf32>
    %get3A_36 = arith.constant 0 : index
    %get3A_37 = arith.constant 0 : index
    %get3A_38 = vector.load %arg6[%get3A_36, %get3A_37] : memref<1x1xf32, #tpu.memory_space<vmem>>, vector<1x1xf32>
    %add3A_39 = vector.broadcast %get3A_38 : vector<1x1xf32> to vector<2000x1xf32>
    %add3A_40 = arith.addf %dot_general3A_35, %add3A_39 : vector<2000x1xf32>
    %swap3A = arith.constant 0 : index
    %swap3A_41 = arith.constant 0 : index
    %swap3A_42 = vector.load %arg7[%swap3A, %swap3A_41] : memref<2000x1xf32, #tpu.memory_space<vmem>>, vector<2000x1xf32>
    tpu.vector_store %arg7[%swap3A, %swap3A_41], %add3A_40 {strides = array<i32>} : memref<2000x1xf32, #tpu.memory_space<vmem>>, vector<2000x1xf32>,
    %swap3A_43 = arith.constant 0 : index
    %swap3A_44 = arith.constant 0 : index
    %swap3A_45 = vector.load %arg8[%swap3A_43, %swap3A_44] : memref<2000x16xf32, #tpu.memory_space<vmem>>, vector<2000x16xf32>
    tpu.vector_store %arg8[%swap3A_43, %swap3A_44], %mul3A_28 {strides = array<i32>} : memref<2000x16xf32, #tpu.memory_space<vmem>>, vector<2000x16xf32>,
    %swap3A_46 = arith.constant 0 : index
    %swap3A_47 = arith.constant 0 : index
    %swap3A_48 = vector.load %arg9[%swap3A_46, %swap3A_47] : memref<2000x16xf32, #tpu.memory_space<vmem>>, vector<2000x16xf32>
    tpu.vector_store %arg9[%swap3A_46, %swap3A_47], %add3A_26 {strides = array<i32>} : memref<2000x16xf32, #tpu.memory_space<vmem>>, vector<2000x16xf32>,
    return
  }
  func.func @transform_0(%arg0: i32) -> (i32, i32) {
    %c0_i32 = arith.constant 0 : i32
    %c0_i32_0 = arith.constant 0 : i32
    return %arg0, %c0_i32 : i32, i32
  }
  func.func @transform_1(%arg0: i32) -> (i32, i32) {
    %c0_i32 = arith.constant 0 : i32
    %c0_i32_0 = arith.constant 0 : i32
    return %arg0, %c0_i32 : i32, i32
  }
  func.func @transform_2(%arg0: i32) -> (i32, i32) {
    %c0_i32 = arith.constant 0 : i32
    %c0_i32_0 = arith.constant 0 : i32
    return %arg0, %c0_i32 : i32, i32
  }
  func.func @transform_3(%arg0: i32) -> (i32, i32) {
    %c0_i32 = arith.constant 0 : i32
    %c0_i32_0 = arith.constant 0 : i32
    return %arg0, %c0_i32 : i32, i32
  }
  func.func @transform_4(%arg0: i32) -> (i32, i32) {
    %c0_i32 = arith.constant 0 : i32
    %c0_i32_0 = arith.constant 0 : i32
    %c0_i32_1 = arith.constant 0 : i32
    return %c0_i32, %c0_i32_0 : i32, i32
  }
  func.func @transform_5(%arg0: i32) -> (i32, i32) {
    %c0_i32 = arith.constant 0 : i32
    %c0_i32_0 = arith.constant 0 : i32
    %c0_i32_1 = arith.constant 0 : i32
    return %c0_i32, %c0_i32_0 : i32, i32
  }
  func.func @transform_6(%arg0: i32) -> (i32, i32) {
    %c0_i32 = arith.constant 0 : i32
    %c0_i32_0 = arith.constant 0 : i32
    return %arg0, %c0_i32 : i32, i32
  }
  func.func @transform_7(%arg0: i32) -> (i32, i32) {
    %c0_i32 = arith.constant 0 : i32
    %c0_i32_0 = arith.constant 0 : i32
    return %arg0, %c0_i32 : i32, i32
  }
  func.func @transform_8(%arg0: i32) -> (i32, i32) {
    %c0_i32 = arith.constant 0 : i32
    %c0_i32_0 = arith.constant 0 : i32
    return %arg0, %c0_i32 : i32, i32
  }
}

</mosaic_0001>

<sc_bundles>
// kernel: _run.5.cloned.1.call-start
scs
__scs_entry_jumppad:
0x0: {  	(pc) =	sbr.rel $0x88, $3  }
0x1: {  	(tag) =	ssettag $0x0;
	lr =	simm.s32 $0x1  }
0x2: {  	[smem:$0x3F7B] =	sst lr;
	_ =	strace $0xD0000000  }
0x3: {  	_ = 	snop  }
0x4: {  	_ = 	snop  }
0x5: {  	_ = 	snop  }
0x6: {  	_ = 	snop  }
0x7: {  	_ = 	snop  }
__scs_overlays_trampoline_lowered:
0x8: {  	[smem:$0x3F8A] =	sst s0  }
0x9: {  	[smem:$0x3F8B] =	sst s1  }
0xa: {  	[smem:$0x3F8C] =	sst s2  }
0xb: {  	[smem:$0x3F8D] =	sst s3  }
0xc: {  	[smem:$0x3F8E] =	sst s4  }
0xd: {  	[smem:$0x3F8F] =	sst s5  }
0xe: {  	[smem:$0x3F90] =	sst s6  }
0xf: {  	[smem:$0x3F91] =	sst s7  }
0x10: {  	[smem:$0x3F92] =	sst s8  }
0x11: {  	[smem:$0x3F93] =	sst s9;
	s0 =	simm.s32 @!p0 $0x0  }
0x12: {  	s1 =	sld [smem:$0x3F79];
	s0 =	simm.s32 @p0 $0x1  }
0x13: {  	[smem:$0x3F94] =	sst s0;
	s0 =	simm.s32 @!p1 $0x0  }
0x14: {  	s2 =	sld [smem:$0x3F78];
	s0 =	simm.s32 @p1 $0x1  }
0x15: {  	[smem:$0x3F95] =	sst s0;
	s0 =	simm.s32 @!p2 $0x0  }
0x16: {  	s3 =	sld [smem:$0x3FDB];
	s0 =	simm.s32 @p2 $0x1  }
0x17: {  	s4 =	simm.s32 $0x1BF5;
	[smem:$0x3F97] =	sst s0  }
0x18: {  	s0 =	sld [smem:$0x3F7A];
	_ =	swait.ge [sflag:s4], $0x0  }
0x19: {  	s7 =	sld [smem:$0x3F7B]  }
0x1a: {  	s8 =	sadd.s32 $0xFFFFE003, lr  }
0x1b: {  	s9 =	sadd.s32 $0xFFFFFEF7, lr;
	s5 =	simm.s32 $0xFFFFFFFF;
	p2 =	slt.u32 s8, $0xFFFFF086  }
0x1c: {  	p1 =	slt.u32 s9, $0xF7A;
	s5 =	simm.s32 @!p2 $0x0  }
0x1d: {  	s5 =	simm.s32 @p1 $0x1;
	p0 =	seq.s32 s7, s2  }
0x1e: {  	s7 =	smul.u32 @!p0 $0xF7A, s2;
	p2 =	seq.s32 @!p0 s5, $0x0  }
0x1f: {  	s9 =	smul.u32 $0xF7A, s1;
	s8 =	simm.s32 @!p0 $0x1BF5;
	p2 =	por !p2, p0  }
0x20: {  	[sflag:s8] =	ssyncset.s32 @!p0 $0xFFFFF086;
	s6 =	sadd.s32 @!p0 s3, s7;
	s7 =	simm.s32 @!p0 $0x108  }
0x21: {  	s3 =	sadd.s32 s3, s9;
	s6 =	sadd.s32 @!p0 $0x88, s6;
	s7 =	simm.s32 @p2 $0x1082  }
0x22: {  	[simem:s7], [sflag:s8] =	dma.local @!p0 [hbm:s6], $0xF7A  }
0x23: {  	s9 =	sor.u32 $0xD0000000, s2;
	s6 =	simm.s32 $0x108;
	_ =	swait.ge @!p0 [sflag:s8], $0x0  }
0x24: {  	s3 =	sadd.s32 $0x88, s3;
	s6 =	simm.s32 @!p1 $0x1082;
	[sflag:s4] =	ssyncset.s32 $0xFFFFF086  }
0x25: {  	[simem:s6], [sflag:s4] =	dma.local [hbm:s3], $0xF7A  }
0x26: {  	[smem:$0x3F7B] =	sst s1;
	(tag) =	ssettag s2;
	_ =	strace s9  }
0x27: {  	s1 =	sld [smem:$0x3F8B]  }
0x28: {  	s2 =	sld [smem:$0x3F8C]  }
0x29: {  	s4 =	sld [smem:$0x3F8E]  }
0x2a: {  	p0 =	seq.s32 s5, $0x0;
	s5 =	sld [smem:$0x3F8F]  }
0x2b: {  	s6 =	sld [smem:$0x3F90]  }
0x2c: {  	s7 =	sld [smem:$0x3F91]  }
0x2d: {  	s3 =	simm.s32 $0x108;
	s8 =	sld [smem:$0x3F92]  }
0x2e: {  	s3 =	simm.s32 @!p0 $0x1082;
	s9 =	sld [smem:$0x3F93]  }
0x2f: {  	lr =	sadd.s32 s0, s3;
	s0 =	sld [smem:$0x3F8A]  }
0x30: {  	s3 =	sld [smem:$0x3F8D]  }
0x31: {  	[smem:$0x3F96] =	sst s10  }
0x32: {  	s10 =	sld [smem:$0x3F94];
	_ =	sdelay $0x3  }
0x33: {  	p0 =	seq.s32 s10, $0x1;
	s10 =	sld [smem:$0x3F96];
	_ =	sdelay $0x3  }
0x34: {  	[smem:$0x3F96] =	sst s10  }
0x35: {  	s10 =	sld [smem:$0x3F95];
	_ =	sdelay $0x3  }
0x36: {  	p1 =	seq.s32 s10, $0x1;
	s10 =	sld [smem:$0x3F96];
	_ =	sdelay $0x3  }
0x37: {  	[smem:$0x3F96] =	sst s10  }
0x38: {  	s10 =	sld [smem:$0x3F97]  }
0x39: {  	_ = 	snop;
	(pc) =	sbr.ind lr, $3  }
0x3a: {  	_ = 	snop  }
0x3b: {  	_ = 	snop  }
0x3c: {  	p2 =	seq.s32 s10, $0x1;
	s10 =	sld [smem:$0x3F96]  }
0x3d: {  	_ =	shalt  }
0x3e: {  	_ =	shalt  }
0x3f: {  	_ =	shalt  }
0x40: {  	_ =	shalt  }
0x41: {  	_ =	shalt  }
0x42: {  	_ =	shalt  }
0x43: {  	_ =	shalt  }
0x44: {  	_ =	shalt  }
0x45: {  	_ =	shalt  }
0x46: {  	_ =	shalt  }
0x47: {  	_ =	shalt  }
0x48: {  	_ =	shalt  }
0x49: {  	_ =	shalt  }
0x4a: {  	_ =	shalt  }
0x4b: {  	_ =	shalt  }
0x4c: {  	_ =	shalt  }
0x4d: {  	_ =	shalt  }
0x4e: {  	_ =	shalt  }
0x4f: {  	_ =	shalt  }
0x50: {  	_ =	shalt  }
0x51: {  	_ =	shalt  }
0x52: {  	_ =	shalt  }
0x53: {  	_ =	shalt  }
0x54: {  	_ =	shalt  }
0x55: {  	_ =	shalt  }
0x56: {  	_ =	shalt  }
0x57: {  	_ =	shalt  }
0x58: {  	_ =	shalt  }
0x59: {  	_ =	shalt  }
0x5a: {  	_ =	shalt  }
0x5b: {  	_ =	shalt  }
0x5c: {  	_ =	shalt  }
0x5d: {  	_ =	shalt  }
0x5e: {  	_ =	shalt  }
0x5f: {  	_ =	shalt  }
0x60: {  	_ =	shalt  }
0x61: {  	_ =	shalt  }
0x62: {  	_ =	shalt  }
0x63: {  	_ =	shalt  }
0x64: {  	_ =	shalt  }
0x65: {  	_ =	shalt  }
0x66: {  	_ =	shalt  }
0x67: {  	_ =	shalt  }
0x68: {  	_ =	shalt  }
0x69: {  	_ =	shalt  }
0x6a: {  	_ =	shalt  }
0x6b: {  	_ =	shalt  }
0x6c: {  	_ =	shalt  }
0x6d: {  	_ =	shalt  }
0x6e: {  	_ =	shalt  }
0x6f: {  	_ =	shalt  }
0x70: {  	_ =	shalt  }
0x71: {  	_ =	shalt  }
0x72: {  	_ =	shalt  }
0x73: {  	_ =	shalt  }
0x74: {  	_ =	shalt  }
0x75: {  	_ =	shalt  }
0x76: {  	_ =	shalt  }
0x77: {  	_ =	shalt  }
0x78: {  	_ =	shalt  }
0x79: {  	_ =	shalt  }
0x7a: {  	_ =	shalt  }
0x7b: {  	_ =	shalt  }
0x7c: {  	_ =	shalt  }
0x7d: {  	_ =	shalt  }
0x7e: {  	_ =	shalt  }
0x7f: {  	_ =	shalt  }
0x80: {  	_ =	shalt  }
0x81: {  	_ =	shalt  }
0x82: {  	_ =	shalt  }
0x83: {  	_ =	shalt  }
0x84: {  	_ =	shalt  }
0x85: {  	_ =	shalt  }
0x86: {  	_ =	shalt  }
0x87: {  	_ =	shalt  }
.Lfunc_end0:
.L_simem_size_0:
called_computation_lowered:
.L_overlay_start_0:
0x88: {  	s2 =	sld [smem:$0x3FD9]  }
0x89: {  	s3 =	sld [smem:$0x3FFE];
	_ =	sdelay $0x1  }
0x8a: {  	s1 =	srdreg.scid  }
0x8b: {  	s0 =	sand.u32 $0x1, s1  }
0x8c: {  	s16 =	sshll.u32 s0, $0xA;
	s2 =	sadd.s32 s3, s2  }
0x8d: {  	s2 =	sadd.s32 s2, s16  }
0x8e: {  	[smem:$0x3FA2] =	sst s2  }
0x8f: {  	_ = 	snop  }
0x90: {  	(tm) =	ssettm $0x1  }
0x91: {  	s17 =	sld [smem:$0x3FFB];
	_ =	sdelay $0x3  }
0x92: {  	_ =	strace s17  }
0x93: {  	s2 =	sld [smem:$0x3FFC];
	_ =	sdelay $0x3  }
0x94: {  	_ =	strace s2  }
0x95: {  	s2 =	sld [smem:$0x3FFD];
	_ =	sdelay $0x3  }
0x96: {  	_ =	strace s2  }
0x97: {  	_ =	strace $0x8FFFFFFF  }
0x98: {  	s18 =	sld [smem:$0x3FDB];
	_ =	sdelay $0x1  }
0x99: {  	s19 =	simm.s32 $_scs_section_size  }
0x9a: {  	s4 =	simm.s32 $_size__tile_overlayer_lowered;
	s5 =	simm.s32 $_tile_overlayer_lowered  }
0x9b: {  	s22 =	simm.s32 $0x1BFF;
	s21 =	sshll.u32 s5, $0x1;
	s2 =	sadd.s32 s19, s18  }
0x9c: {  	s6 =	simm.s32 $0x0;
	s20 =	sshll.u32 s4, $0x1;
	s4 =	sadd.s32 s21, s2  }
0x9d: {  	[timem:s6], [sflag:s22] =	dma.local [hbm:s4], s20  }
0x9e: {  	_ =	swait.ge [sflag:s22], s20  }
0x9f: {  	s3 =	ssub.s32 $0x0, s20;
	[sflag:s22] =	ssyncset.done $0x0  }
0xa0: {  	[sflag:s22] =	ssyncadd.s32 s3;
	_ =	sdelay $0x1  }
0xa1: {  	s23 =	simm.s32 $0x1B8B  }
0xa2: {  	_ =	swait.ge [sflag:s23], $0x1  }
0xa3: {  	[sflag:s23] =	ssyncset.done $0x0  }
0xa4: {  	s25 =	simm.s32 $0x1B8E;
	s24 =	sld [smem:$0x3FFE];
	[sflag:s23] =	ssyncadd.s32 $0xFFFFFFFF  }
0xa5: {  	s26 =	simm.s32 $execute0_lowered;
	[smem:$0x3FD2] =	sst s25  }
0xa6: {  	s4 =	sshll.u32 s26, $0x1;
	_ =	strace $0x80000046;
	[dreg:$0x1] =	wrdreg $0xFFFFFFFF  }
0xa7: {  	s28 =	simm.s32 $_size_execute0_lowered;
	s2 =	sadd.s32 s2, s4;
	[dreg:$0x0] =	wrdreg $0x0  }
0xa8: {  	s4 =	sshll.u32 s28, $0x1;
	[dreg:$0x2] =	wrdreg s2  }
0xa9: {  	[dreg:$0x3] =	wrdreg s4  }
0xaa: {  	[dreg:$0x4] =	wrdreg $0xC0  }
0xab: {  	_ =	task [dreg:s6], $0x5FFFF  }
0xac: {  	[dreg:$0x1] =	wrdreg $0xFFFFFFFF  }
0xad: {  	[dreg:$0x0] =	wrdreg $0x60  }
0xae: {  	[dreg:$0x2] =	wrdreg s24  }
0xaf: {  	[dreg:$0x3] =	wrdreg $0x10B300  }
0xb0: {  	[dreg:$0x4] =	wrdreg $0x9  }
0xb1: {  	_ =	task.clear_ibuf [dreg:s6], $0x5FFFF;
	_ =	strace $0x90000046  }
0xb2: {  	s29 =	simm.s32 $0x9;
	_ =	strace $0x80000048  }
0xb3: {  	_ =	swait.ge [sflag:s29], $0x1  }
0xb4: {  	[sflag:s29] =	ssyncadd.s32 $0xFFFFFFFF  }
0xb5: {  	_ =	strace $0x90000048  }
0xb6: {  	_ =	sfence  }
0xb7: {  	s30 =	sld [smem:$0x0];
	_ =	sdelay $0x2  }
0xb8: {  	s31 =	sshll.u32 s1, $0xD;
	s1 =	sshrl.u32 s1, $0x2  }
0xb9: {  	s3 =	sand.u32 $0x4000, s31;
	s1 =	sadd.s32 s1, s30  }
0xba: {  	s0 =	sor.u32 s3, s0;
	s1 =	sshll.u32 s1, $0x11  }
0xbb: {  	s0 =	sor.u32 s1, s0  }
0xbc: {  	s0 =	sadd.s32 $0x8F2B, s0  }
0xbd: {  	[sflag:s0] =	ssyncadd.remote.s32 $0x1  }
0xbe: {  	_ =	sfence.sel $0xFFFF  }
0xbf: {  	[dreg:$0x0] =	wrdreg $0xFFFFFFFF;
	(pc) =	sbr.abs _section_cstart, $3  }
0xc0: {  	[dreg:$0x1] =	wrdreg $0xFFFFFFFF  }
0xc1: {  	_ =	task.clear_ibuf [dreg:s6], $0x2FFFF;
	_ =	strace $0x9FFFFFFF  }
0xc2: {  	(tm) =	ssettm $0x7FFFFFFF  }
0xc3: {  	_ =	shalt  }
tec
execute0_lowered:
.L_overlay_start_1:
0x0: {  	(tag) =	ssettag $0x1  }
0x1: {  	s0 =	srdreg.scid;
	s1 =	rddreg [dreg:$0x0]  }
0x2: {  	s9 =	stileid.u32;
	s2 =	rddreg [dreg:$0x1];
	s4 =	simm.s32 $0x0  }
0x3: {  	s12 =	simm.s32 $0xB;
	s13 =	simm.s32 $0xF230;
	s14 =	simm.s32 $0x50  }
0x4: {  	s15 =	simm.s32 $0x7530;
	s16 =	simm.s32 $0x8E30;
	s18 =	simm.s32 $0xA730  }
0x5: {  	s28 =	simm.s32 $0x5;
	s29 =	simm.s32 $0x6;
	s30 =	simm.s32 $0x7  }
0x6: {  	s31 =	simm.s32 $0x8;
	s17 =	simm.s32 $0xA;
	s0 =	sand.u32 $0x1, s0  }
0x7: {  	[smem:$0x7FF] =	sst s4;
	s4 =	sadd.s32 $0x3E800, s1;
	s8 =	smul.u32 $0x32000, s9  }
0x8: {  	s5 =	sadd.s32 $0x6F800, s1;
	s21 =	sshll.u32 s9, $0x3;
	s26 =	smul.u32 $0x1900, s9  }
0x9: {  	s3 =	sshll.u32 s0, $0x4;
	_ =	strace $0x80000047;
	s6 =	ssub.s32 $0x2, s0  }
0xa: {  	s22 =	sxor.u32 $0x7D, s21;
	p0 =	sne.s32 s0, $0x0;
	s21 =	simm.s32 $0x0  }
0xb: {  	s3 =	sor.u32 s9, s3;
	s7 =	sshrl.u32 s6, $0x1;
	s23 =	sshrl.u32 s8, $0x2  }
0xc: {  	[dreg:$0x8] =	wrdreg s26;
	s26 =	simm.s32 $0x4;
	s3 =	smul.u32 $0x2710, s3  }
0xd: {  	s6 =	ssub.s32 s6, s7;
	s25 =	sadd.s32 s23, s2;
	s23 =	simm.s32 $0x1  }
0xe: {  	s24 =	smax.u32 s6, $0x1;
	[dreg:$0x7] =	wrdreg s25;
	s3 =	sshrl.u32 s3, $0x3  }
0xf: {  	s25 =	simm.s32 $0x3;
	[dreg:$0x6] =	wrdreg s24;
	s3 =	sadd.s32 s3, s1  }
0x10: {  	s24 =	simm.s32 $0x2;
	s1 =	sadd.s32 $0x57000, s1;
	s20 =	sadd.s32 $0x3C00, s3  }
0x11: {  	s3 =	sadd.s32 $0xD840, s3;
	s5 =	smov.u32 @p0 s1;
	[dreg:$0x3] =	wrdreg s20  }
0x12: {  	s1 =	simm.s32 $0x9;
	[dreg:$0x4] =	wrdreg s3;
	s3 =	smin.u32 s22, $0x8  }
0x13: {  	v0 =	vimm.f32 $0.0e+00;
	s20 =	simm.s32 $0xC030;
	s22 =	simm.s32 $0xD930;
	[dreg:$0x5] =	wrdreg s3  }
.LBB2_1:
0x14: {  	s3 =	simm.s32 $0x0;
	s0 =	rddreg [dreg:$0x3]  }
0x15: {  	[tilespmem:s3], [sflag:$0xB] =	stream.linear.gather [hbm4b:s0+s3], $0x2710, $0x38;
	[tilespmem:$0x1CE80] =	vst v63  }
0x16: {  	_ =	swait.ge [sflag:s12], $0x2710  }
0x17: {  	[sflag:s12] =	ssyncset.done $0x0  }
0x18: {  	s0 =	simm.s32 $0x2710;
	s6 =	rddreg [dreg:$0x4];
	[sflag:s12] =	ssyncadd.s32 $0xFFFFD8F0  }
0x19: {  	[tilespmem:s0], [sflag:$0xB] =	stream.linear.gather [hbm4b:s6+s3], $0x2710, $0x38;
	[tilespmem:$0x1CE80] =	vst v63  }
0x1a: {  	s3 =	smul.u32 $0xCCCD, s3  }
0x1b: {  	_ =	swait.ge [sflag:s12], $0x2710  }
0x1c: {  	s10 =	simm.s32 $0x0;
	[sflag:s12] =	ssyncset.done $0x0;
	s6 =	sshrl.u32 s3, $0x12  }
0x1d: {  	s3 =	simm.s32 $0x1;
	[sflag:s12] =	ssyncadd.s32 $0xFFFFD8F0;
	s11 =	smul.u32 $0x5, s6  }
.LBB2_2:
0x1e: {  	s19 =	smul.u32 $0xCCCD, s3  }
0x1f: {  	v1 =	vld [tilespmem:s0+$0x0];
	s7 =	smov.u32 s3;
	s6 =	smul.u32 $0x140, s6;
	p1 =	sne.s32 s3, $0x270  }
.Ltmp0:
0x20: {  	s10 =	ssub.s32 s10, s11;
	(pc) =	sbr.rel @p1 .LBB2_2-.Ltmp0, $4  }
0x21: {  	s3 =	sadd.s32 $0x1, s3;
	s10 =	sand.u32 $0xFFFF, s10  }
0x22: {  	s11 =	sshrl.u32 s6, $0x2;
	s8 =	sshll.u32 s10, $0x4;
	s10 =	smov.u32 s7  }
0x23: {  	s6 =	sshrl.u32 s19, $0x12;
	s7 =	sadd.s32 s8, s11  }
0x24: {  	s0 =	sadd.s32 $0x10, s0;
	s11 =	smul.u32 $0x5, s6;
	[tilespmem:s7+$0x4E20] =	vst v1  }
0x25: {  	v1 =	vld [tilespmem:s0+$0x0]  }
0x26: {  	s3 =	smul.u32 $0x140, s6;
	s19 =	ssub.s32 s10, s11  }
0x27: {  	s0 =	sand.u32 $0xFFFF, s19  }
0x28: {  	s3 =	sshrl.u32 s3, $0x2;
	s0 =	sshll.u32 s0, $0x4  }
0x29: {  	s0 =	sadd.s32 s0, s3  }
0x2a: {  	s3 =	simm.s32 $0x140;
	[tilespmem:s0+$0x4E20] =	vst v1;
	s0 =	simm.s32 $0x0  }
.LBB2_4:
0x2b: {  	p1 =	sne.s32 s3, $0x62C0;
	[tilespmem:s0+$0xF270] =	vst v0;
	s6 =	smov.u32 s3;
	s3 =	sadd.s32 $0x140, s3  }
.Ltmp1:
0x2c: {  	[tilespmem:s0+$0xF260] =	vst v0;
	(pc) =	sbr.rel @p1 .LBB2_4-.Ltmp1, $4  }
0x2d: {  	[tilespmem:s0+$0xF250] =	vst v0  }
0x2e: {  	[tilespmem:s0+$0xF230] =	vst v0  }
0x2f: {  	[tilespmem:s0+$0xF240] =	vst v0  }
0x30: {  	s0 =	sshra.s32 s6, $0x2  }
0x31: {  	[tilespmem:s0+$0xF270] =	vst v0  }
0x32: {  	[tilespmem:s0+$0xF260] =	vst v0;
	s19 =	rddreg [dreg:$0x5]  }
0x33: {  	[tilespmem:s0+$0xF250] =	vst v0;
	p1 =	sne.s32 s19, $0x1  }
.Ltmp2:
0x34: {  	[tilespmem:s0+$0xF230] =	vst v0;
	(pc) =	sbr.rel @!p1 .LBB2_7-.Ltmp2, $4  }
0x35: {  	[tilespmem:s0+$0xF240] =	vst v0;
	s3 =	rddreg [dreg:$0x7]  }
0x36: {  	[spmem:s3] =	stream.linear.scatter [tilespmem:s13], [sflag:$0xB], $0x1900, $0x38;
	[tilespmem:$0x1CE80] =	vst v63  }
0x37: {  	_ =	swait.ge [sflag:s12], $0x1900  }
0x38: {  	s0 =	sadd.s32 $0xFFFFFFFF, s19;
	[sflag:s12] =	ssyncset.done $0x0  }
.LBB2_6:
0x39: {  	p1 =	sne.s32 s0, $0x1;
	[sflag:s12] =	ssyncadd.s32 $0xFFFFE700;
	s3 =	sadd.s32 $0x1900, s3  }
.Ltmp3:
0x3a: {  	s0 =	sadd.s32 $0xFFFFFFFF, s0;
	(pc) =	sbr.rel @p1 .LBB2_6-.Ltmp3, $4  }
0x3b: {  	_ = 	snop  }
0x3c: {  	[spmem:s3] =	stream.linear.scatter [tilespmem:s13], [sflag:$0xB], $0x1900, $0x38;
	[tilespmem:$0x1CE80] =	vst v63  }
0x3d: {  	_ =	swait.ge [sflag:s12], $0x1900  }
0x3e: {  	[sflag:s12] =	ssyncset.done $0x0  }
.LBB2_7:
0x3f: {  	[sflag:s12] =	ssyncadd.s32 $0xFFFFE700  }
0x40: {  	s0 =	simm.s32 $0x0;
	[bflag:$0x0] =	sbarrier.arrive $0xFFFF  }
0x41: {  	[tilespmem:s15], [sflag:$0x1] =	stream.indirect.gather [hbm4b:s4+s14], $0x50, s0, s14, $0xb8;
	[tilespmem:$0x1CE80] =	vst v63  }
0x42: {  	_ = 	snop  }
0x43: {  	[tilespmem:s16], [sflag:$0x2] =	stream.indirect.gather [hbm4b:s4+s14], $0x50, s14, s14, $0xb8;
	[tilespmem:$0x1CE80] =	vst v63  }
0x44: {  	s9 =	simm.s32 $0xA0  }
0x45: {  	[tilespmem:s18], [sflag:$0x3] =	stream.indirect.gather [hbm4b:s4+s14], $0x50, s9, s14, $0xb8;
	[tilespmem:$0x1CE80] =	vst v63  }
0x46: {  	s10 =	simm.s32 $0xF0  }
0x47: {  	[tilespmem:s20], [sflag:$0x4] =	stream.indirect.gather [hbm4b:s4+s14], $0x50, s10, s14, $0xb8;
	[tilespmem:$0x1CE80] =	vst v63  }
0x48: {  	s11 =	simm.s32 $0x140  }
0x49: {  	[tilespmem:s22], [sflag:$0x5] =	stream.indirect.gather [hbm4b:s4+s14], $0x50, s11, s14, $0xb8;
	[tilespmem:$0x1CE80] =	vst v63  }
0x4a: {  	_ =	swait.ge [sflag:s23], $0x1900  }
0x4b: {  	[sflag:s23] =	ssyncset.done $0x0  }
0x4c: {  	s19 =	simm.s32 $0x4E20;
	[sflag:s23] =	ssyncadd.s32 $0xFFFFE700  }
0x4d: {  	[spmem:s2] =	stream.indirect.scatter.add.f32 [tilespmem:s15], [sflag:$0x6], $0x50, s19, s14, $0xb8;
	[tilespmem:$0x1CE80] =	vst v63  }
0x4e: {  	_ =	swait.ge [sflag:s24], $0x1900  }
0x4f: {  	[sflag:s24] =	ssyncset.done $0x0  }
0x50: {  	s3 =	simm.s32 $0x4E70;
	[sflag:s24] =	ssyncadd.s32 $0xFFFFE700  }
0x51: {  	[spmem:s2] =	stream.indirect.scatter.add.f32 [tilespmem:s16], [sflag:$0x7], $0x50, s3, s14, $0xb8;
	[tilespmem:$0x1CE80] =	vst v63  }
0x52: {  	_ =	swait.ge [sflag:s25], $0x1900  }
0x53: {  	[sflag:s25] =	ssyncset.done $0x0  }
0x54: {  	s6 =	simm.s32 $0x4EC0;
	[sflag:s25] =	ssyncadd.s32 $0xFFFFE700  }
0x55: {  	[spmem:s2] =	stream.indirect.scatter.add.f32 [tilespmem:s18], [sflag:$0x8], $0x50, s6, s14, $0xb8;
	[tilespmem:$0x1CE80] =	vst v63  }
0x56: {  	_ =	swait.ge [sflag:s26], $0x1900  }
0x57: {  	[sflag:s26] =	ssyncset.done $0x0  }
0x58: {  	s7 =	simm.s32 $0x4F10;
	[sflag:s26] =	ssyncadd.s32 $0xFFFFE700  }
0x59: {  	[spmem:s2] =	stream.indirect.scatter.add.f32 [tilespmem:s20], [sflag:$0x9], $0x50, s7, s14, $0xb8;
	[tilespmem:$0x1CE80] =	vst v63  }
0x5a: {  	_ =	swait.ge [sflag:s28], $0x1900  }
0x5b: {  	[sflag:s28] =	ssyncset.done $0x0  }
0x5c: {  	s8 =	simm.s32 $0x4F60;
	[sflag:s28] =	ssyncadd.s32 $0xFFFFE700  }
0x5d: {  	[spmem:s2] =	stream.indirect.scatter.add.f32 [tilespmem:s22], [sflag:$0xA], $0x50, s8, s14, $0xb8;
	[tilespmem:$0x1CE80] =	vst v63  }
0x5e: {  	_ =	swait.ge [sflag:s29], $0x1900  }
0x5f: {  	[sflag:s29] =	ssyncset.done $0x0  }
0x60: {  	s9 =	simm.s32 $0x190;
	[sflag:s29] =	ssyncadd.s32 $0xFFFFE700  }
0x61: {  	[tilespmem:s15], [sflag:$0x1] =	stream.indirect.gather [hbm4b:s4+s14], $0x50, s9, s14, $0xb8;
	[tilespmem:$0x1CE80] =	vst v63  }
0x62: {  	_ =	swait.ge [sflag:s30], $0x1900  }
0x63: {  	[sflag:s30] =	ssyncset.done $0x0  }
0x64: {  	s10 =	simm.s32 $0x1E0;
	[sflag:s30] =	ssyncadd.s32 $0xFFFFE700  }
0x65: {  	[tilespmem:s16], [sflag:$0x2] =	stream.indirect.gather [hbm4b:s4+s14], $0x50, s10, s14, $0xb8;
	[tilespmem:$0x1CE80] =	vst v63  }
0x66: {  	_ =	swait.ge [sflag:s31], $0x1900  }
0x67: {  	[sflag:s31] =	ssyncset.done $0x0  }
0x68: {  	s11 =	simm.s32 $0x230;
	[sflag:s31] =	ssyncadd.s32 $0xFFFFE700  }
0x69: {  	[tilespmem:s18], [sflag:$0x3] =	stream.indirect.gather [hbm4b:s4+s14], $0x50, s11, s14, $0xb8;
	[tilespmem:$0x1CE80] =	vst v63  }
0x6a: {  	_ =	swait.ge [sflag:s1], $0x1900  }
0x6b: {  	[sflag:s1] =	ssyncset.done $0x0  }
0x6c: {  	s19 =	simm.s32 $0x280;
	[sflag:s1] =	ssyncadd.s32 $0xFFFFE700  }
0x6d: {  	[tilespmem:s20], [sflag:$0x4] =	stream.indirect.gather [hbm4b:s4+s14], $0x50, s19, s14, $0xb8;
	[tilespmem:$0x1CE80] =	vst v63  }
0x6e: {  	_ =	swait.ge [sflag:s17], $0x1900  }
0x6f: {  	[sflag:s17] =	ssyncset.done $0x0  }
0x70: {  	s0 =	simm.s32 $0x640;
	s3 =	simm.s32 $0x2D0;
	[sflag:s17] =	ssyncadd.s32 $0xFFFFE700  }
.LBB2_8:
0x71: {  	[tilespmem:s22], [sflag:$0x5] =	stream.indirect.gather [hbm4b:s4+s14], $0x50, s3, s14, $0xb8;
	[tilespmem:$0x1CE80] =	vst v63  }
0x72: {  	s3 =	smov.u32 s0  }
0x73: {  	p1 =	sne.s32 s0, $0x8FC0;
	s0 =	sadd.s32 $0x640, s0;
	_ =	swait.ge [sflag:s23], $0x1900  }
0x74: {  	s19 =	sshra.s32 s3, $0x2;
	[sflag:s23] =	ssyncset.done $0x0  }
0x75: {  	s3 =	sadd.s32 $0x4E20, s19;
	[sflag:s23] =	ssyncadd.s32 $0xFFFFE700  }
0x76: {  	[spmem:s2] =	stream.indirect.scatter.add.f32 [tilespmem:s15], [sflag:$0x6], $0x50, s3, s14, $0xb8;
	[tilespmem:$0x1CE80] =	vst v63  }
0x77: {  	_ =	swait.ge [sflag:s24], $0x1900  }
0x78: {  	[sflag:s24] =	ssyncset.done $0x0  }
0x79: {  	s3 =	sadd.s32 $0x4E70, s19;
	[sflag:s24] =	ssyncadd.s32 $0xFFFFE700  }
0x7a: {  	[spmem:s2] =	stream.indirect.scatter.add.f32 [tilespmem:s16], [sflag:$0x7], $0x50, s3, s14, $0xb8;
	[tilespmem:$0x1CE80] =	vst v63  }
0x7b: {  	_ =	swait.ge [sflag:s25], $0x1900  }
0x7c: {  	[sflag:s25] =	ssyncset.done $0x0  }
0x7d: {  	s3 =	sadd.s32 $0x4EC0, s19;
	[sflag:s25] =	ssyncadd.s32 $0xFFFFE700  }
0x7e: {  	[spmem:s2] =	stream.indirect.scatter.add.f32 [tilespmem:s18], [sflag:$0x8], $0x50, s3, s14, $0xb8;
	[tilespmem:$0x1CE80] =	vst v63  }
0x7f: {  	_ =	swait.ge [sflag:s26], $0x1900  }
0x80: {  	[sflag:s26] =	ssyncset.done $0x0  }
0x81: {  	s3 =	sadd.s32 $0x4F10, s19;
	[sflag:s26] =	ssyncadd.s32 $0xFFFFE700  }
0x82: {  	[spmem:s2] =	stream.indirect.scatter.add.f32 [tilespmem:s20], [sflag:$0x9], $0x50, s3, s14, $0xb8;
	[tilespmem:$0x1CE80] =	vst v63  }
0x83: {  	_ =	swait.ge [sflag:s28], $0x1900  }
0x84: {  	[sflag:s28] =	ssyncset.done $0x0  }
0x85: {  	s3 =	sadd.s32 $0x4F60, s19;
	[sflag:s28] =	ssyncadd.s32 $0xFFFFE700  }
0x86: {  	[spmem:s2] =	stream.indirect.scatter.add.f32 [tilespmem:s22], [sflag:$0xA], $0x50, s3, s14, $0xb8;
	[tilespmem:$0x1CE80] =	vst v63  }
0x87: {  	_ =	swait.ge [sflag:s29], $0x1900  }
0x88: {  	[sflag:s29] =	ssyncset.done $0x0  }
0x89: {  	s3 =	sadd.s32 $0x190, s19;
	[sflag:s29] =	ssyncadd.s32 $0xFFFFE700  }
0x8a: {  	[tilespmem:s15], [sflag:$0x1] =	stream.indirect.gather [hbm4b:s4+s14], $0x50, s3, s14, $0xb8;
	[tilespmem:$0x1CE80] =	vst v63  }
0x8b: {  	_ =	swait.ge [sflag:s30], $0x1900  }
0x8c: {  	[sflag:s30] =	ssyncset.done $0x0  }
0x8d: {  	s3 =	sadd.s32 $0x1E0, s19;
	[sflag:s30] =	ssyncadd.s32 $0xFFFFE700  }
0x8e: {  	[tilespmem:s16], [sflag:$0x2] =	stream.indirect.gather [hbm4b:s4+s14], $0x50, s3, s14, $0xb8;
	[tilespmem:$0x1CE80] =	vst v63  }
0x8f: {  	_ =	swait.ge [sflag:s31], $0x1900  }
0x90: {  	[sflag:s31] =	ssyncset.done $0x0  }
0x91: {  	s3 =	sadd.s32 $0x230, s19;
	[sflag:s31] =	ssyncadd.s32 $0xFFFFE700  }
0x92: {  	[tilespmem:s18], [sflag:$0x3] =	stream.indirect.gather [hbm4b:s4+s14], $0x50, s3, s14, $0xb8;
	[tilespmem:$0x1CE80] =	vst v63  }
0x93: {  	_ =	swait.ge [sflag:s1], $0x1900  }
0x94: {  	[sflag:s1] =	ssyncset.done $0x0  }
.Ltmp4:
0x95: {  	s3 =	sadd.s32 $0x280, s19;
	[sflag:s1] =	ssyncadd.s32 $0xFFFFE700;
	(pc) =	sbr.rel @p1 .LBB2_8-.Ltmp4, $4  }
0x96: {  	[tilespmem:s20], [sflag:$0x4] =	stream.indirect.gather [hbm4b:s4+s14], $0x50, s3, s14, $0xb8;
	[tilespmem:$0x1CE80] =	vst v63  }
0x97: {  	_ =	swait.ge [sflag:s17], $0x1900  }
0x98: {  	[sflag:s17] =	ssyncset.done $0x0  }
0x99: {  	s3 =	sadd.s32 $0x2D0, s19;
	[sflag:s17] =	ssyncadd.s32 $0xFFFFE700  }
0x9a: {  	[tilespmem:s22], [sflag:$0x5] =	stream.indirect.gather [hbm4b:s4+s14], $0x50, s3, s14, $0xb8;
	[tilespmem:$0x1CE80] =	vst v63  }
0x9b: {  	_ =	swait.ge [sflag:s23], $0x1900  }
0x9c: {  	[sflag:s23] =	ssyncset.done $0x0  }
0x9d: {  	s0 =	simm.s32 $0x73A0;
	[sflag:s23] =	ssyncadd.s32 $0xFFFFE700  }
0x9e: {  	[spmem:s2] =	stream.indirect.scatter.add.f32 [tilespmem:s15], [sflag:$0x6], $0x50, s0, s14, $0xb8;
	[tilespmem:$0x1CE80] =	vst v63  }
0x9f: {  	_ =	swait.ge [sflag:s24], $0x1900  }
0xa0: {  	[sflag:s24] =	ssyncset.done $0x0  }
0xa1: {  	s7 =	simm.s32 $0x73F0;
	[sflag:s24] =	ssyncadd.s32 $0xFFFFE700  }
0xa2: {  	[spmem:s2] =	stream.indirect.scatter.add.f32 [tilespmem:s16], [sflag:$0x7], $0x50, s7, s14, $0xb8;
	[tilespmem:$0x1CE80] =	vst v63  }
0xa3: {  	_ =	swait.ge [sflag:s25], $0x1900  }
0xa4: {  	[sflag:s25] =	ssyncset.done $0x0  }
0xa5: {  	s8 =	simm.s32 $0x7440;
	[sflag:s25] =	ssyncadd.s32 $0xFFFFE700  }
0xa6: {  	[spmem:s2] =	stream.indirect.scatter.add.f32 [tilespmem:s18], [sflag:$0x8], $0x50, s8, s14, $0xb8;
	[tilespmem:$0x1CE80] =	vst v63  }
0xa7: {  	_ =	swait.ge [sflag:s26], $0x1900  }
0xa8: {  	[sflag:s26] =	ssyncset.done $0x0  }
0xa9: {  	s9 =	simm.s32 $0x7490;
	[sflag:s26] =	ssyncadd.s32 $0xFFFFE700  }
0xaa: {  	[spmem:s2] =	stream.indirect.scatter.add.f32 [tilespmem:s20], [sflag:$0x9], $0x50, s9, s14, $0xb8;
	[tilespmem:$0x1CE80] =	vst v63  }
0xab: {  	_ =	swait.ge [sflag:s28], $0x1900  }
0xac: {  	[sflag:s28] =	ssyncset.done $0x0  }
0xad: {  	s10 =	simm.s32 $0x74E0;
	[sflag:s28] =	ssyncadd.s32 $0xFFFFE700  }
0xae: {  	[spmem:s2] =	stream.indirect.scatter.add.f32 [tilespmem:s22], [sflag:$0xA], $0x50, s10, s14, $0xb8;
	[tilespmem:$0x1CE80] =	vst v63  }
0xaf: {  	_ =	swait.ge [sflag:s29], $0x1900  }
0xb0: {  	[sflag:s29] =	ssyncset.done $0x0  }
0xb1: {  	[sflag:s29] =	ssyncadd.s32 $0xFFFFE700  }
0xb2: {  	_ =	swait.ge [sflag:s30], $0x1900  }
0xb3: {  	[sflag:s30] =	ssyncset.done $0x0  }
0xb4: {  	[sflag:s30] =	ssyncadd.s32 $0xFFFFE700  }
0xb5: {  	_ =	swait.ge [sflag:s31], $0x1900  }
0xb6: {  	[sflag:s31] =	ssyncset.done $0x0  }
0xb7: {  	[sflag:s31] =	ssyncadd.s32 $0xFFFFE700  }
0xb8: {  	_ =	swait.ge [sflag:s1], $0x1900  }
0xb9: {  	[sflag:s1] =	ssyncset.done $0x0  }
0xba: {  	[sflag:s1] =	ssyncadd.s32 $0xFFFFE700  }
0xbb: {  	_ =	swait.ge [sflag:s17], $0x1900  }
0xbc: {  	s11 =	rddreg [dreg:$0x5]  }
0xbd: {  	s3 =	sadd.s32 $0xFFFFFFFF, s11  }
0xbe: {  	p2 =	sne.s32 s3, $0x0  }
.Ltmp5:
0xbf: {  	_ = 	snop;
	(pc) =	sbr.rel @!p2 .LBB2_10-.Ltmp5, $4  }
0xc0: {  	[sflag:s17] =	ssyncset.done $0x0  }
0xc1: {  	[sflag:s17] =	ssyncadd.s32 $0xFFFFE700  }
0xc2: {  	s19 =	stileid.u32;
	[bflag:$0x0] =	sbarrier.arrive $0xFFFF  }
0xc3: {  	s6 =	simm.s32 @!p0 $0xC;
	p1 =	por $0x0, $0x0;
	s19 =	sshll.u32 s19, $0x6  }
0xc4: {  	s0 =	simm.s32 @!p0 $0xC;
	s3 =	sadd.s32 $0xFFFFFFFF, s3  }
0xc5: {  	s11 =	rddreg [dreg:$0x8];
	s0 =	simm.s32 @p0 $0xB;
	p2 =	sne.s32 s3, $0x0  }
.Ltmp6:
0xc6: {  	s9 =	rddreg [dreg:$0x7];
	s7 =	sadd.s32 s0, s19;
	(pc) =	sbr.rel @!p2 .LBB2_13-.Ltmp6, $4  }
0xc7: {  	s8 =	sadd.s32 s11, s5;
	s10 =	sshrl.u32 s9, $0x3;
	s7 =	sadd.s32 $0x1C00, s7  }
0xc8: {  	[hbm:s8], [sflag:s7] =	dma.local [spmem:s10], $0x320  }
0xc9: {  	p1 =	por $0x1, $0x1;
	_ =	swait.ge [sflag:s0], $0x320  }
0xca: {  	s11 =	sadd.s32 $0x320, s11;
	s10 =	sadd.s32 $0x1900, s9;
	[sflag:s0] =	ssyncset.done $0x0  }
.LBB2_12:
0xcb: {  	[sflag:s0] =	ssyncadd.s32 $0xFFFFFCE0;
	s0 =	smov.u32 s6;
	s3 =	sadd.s32 $0xFFFFFFFF, s3  }
0xcc: {  	s7 =	smov.u32 s19;
	s0 =	simm.s32 @p0 $0xB;
	p2 =	sne.s32 s3, $0x0  }
.Ltmp7:
0xcd: {  	s7 =	sadd.s32 s0, s7;
	(pc) =	sbr.rel @p2 .LBB2_12-.Ltmp7, $4  }
0xce: {  	s8 =	sadd.s32 s11, s5;
	s9 =	sshrl.u32 s10, $0x3;
	s7 =	sadd.s32 $0x1C00, s7  }
0xcf: {  	[hbm:s8], [sflag:s7] =	dma.local [spmem:s9], $0x320  }
0xd0: {  	s11 =	sadd.s32 $0x320, s11;
	_ =	swait.ge [sflag:s0], $0x320  }
0xd1: {  	s10 =	sadd.s32 $0x1900, s10;
	[sflag:s0] =	ssyncset.done $0x0  }
.LBB2_13:
0xd2: {  	s6 =	simm.s32 @p0 $0xB  }
0xd3: {  	[sflag:s0] =	ssyncadd.s32 @p1 $0xFFFFFCE0;
	s9 =	sadd.s32 s6, s19  }
0xd4: {  	s3 =	sadd.s32 s11, s5;
	s7 =	sshrl.u32 s10, $0x3;
	s0 =	sadd.s32 $0x1C00, s9  }
0xd5: {  	[hbm:s3], [sflag:s0] =	dma.local [spmem:s7], $0x320  }
0xd6: {  	_ =	swait.ge [sflag:s6], $0x320  }
0xd7: {  	s21 =	sadd.s32 $0x1, s21;
	s19 =	rddreg [dreg:$0x6]  }
0xd8: {  	p1 =	sne.s32 s21, s19  }
.Ltmp8:
0xd9: {  	_ = 	snop;
	(pc) =	sbr.rel @p1 .LBB2_1-.Ltmp8, $4  }
.Ltmp9:
0xda: {  	_ = 	snop;
	(pc) =	sbr.rel @!p1 .LBB2_14-.Ltmp9, $4  }
0xdb: {  	_ = 	snop  }
0xdc: {  	[sflag:s6] =	ssyncset.done $0x0  }
0xdd: {  	[sflag:s6] =	ssyncadd.s32 $0xFFFFFCE0  }
0xde: {  	_ = 	snop  }
.LBB2_10:
.Ltmp10:
0xdf: {  	(pc) =	sbr.rel .LBB2_13-.Ltmp10, $3  }
0xe0: {  	_ =	sdelay $0x1  }
0xe1: {  	s11 =	rddreg [dreg:$0x8]  }
0xe2: {  	s10 =	rddreg [dreg:$0x7]  }
.LBB2_14:
0xe3: {  	_ =	sfence.sel $0x180000  }
0xe4: {  	[bflag:$0x0] =	sbarrier.arrive $0xFFFF  }
0xe5: {  	_ =	strace $0x90000047  }
0xe6: {  	s0 =	stileid.u32;
	[bflag:$0x2] =	sbarrier.arrive $0xFFFF  }
0xe7: {  	p0 =	sne.s32 s0, $0x0;
	s0 =	rddreg [dreg:$0x2]  }
0xe8: {  	s0 =	sadd.s32 @!p0 $0x100000, s0  }
0xe9: {  	[sflag:s0] =	ssyncadd.tile.s32 @!p0 $0x1;
	_ =	shalt  }
.Lfunc_end2:
_tile_overlayer_lowered:
.L_overlay_start_2:
0xea: {  	(tag) =	ssettag $0x2  }
0xeb: {  	s0 =	rddreg [dreg:$0x0];
	s2 =	stileid.u32  }
0xec: {  	s1 =	rddreg [dreg:$0x1];
	p0 =	sne.s32 s2, $0x0  }
0xed: {  	s3 =	rddreg [dreg:$0x2];
	[bflag:$0x3] =	sbarrier.arrive $0xFFFF;
	s2 =	simm.s32 @!p0 $0x1C0B  }
0xee: {  	[timem:s3], [sflag:s2] =	dma.local @!p0 [hbm:s0], s1  }
0xef: {  	s0 =	simm.s32 @!p0 $0xB  }
0xf0: {  	_ =	swait.ge @!p0 [sflag:s0], s1  }
0xf1: {  	s1 =	ssub.s32 @!p0 $0x0, s1;
	[sflag:s0] =	ssyncset.done @!p0 $0x0  }
0xf2: {  	[sflag:s0] =	ssyncadd.s32 @!p0 s1  }
0xf3: {  	[bflag:$0x3] =	sbarrier.arrive $0xFFFF  }
0xf4: {  	_ =	shalt  }

</sc_bundles>
